<compile_context>
chip_gen: v7x
topology: tpu7x:2x2x1
jax: 0.10.2.dev20260603
libtpu: 0.0.44.dev20260713+nightly
codegen_flags: <defaults>
</compile_context>

<pallas_src>
import functools

import jax
import jax.numpy as jnp
from jax import lax
from jax.experimental import pallas as pl
from jax.experimental.pallas import tpu as pltpu
from jax.experimental.pallas import tpu_sc as plsc

N = 10000
E = 160000
H = 256
IN = 2 * H
HH = H // 2

NC = 2
NS = 16
K = 128
NB = 80
SB = 2
SBK = SB * 128
NSB = NB // SB
EPT = NB * 128
E_PAD = EPT * NS

NH = N // 2
ACC_R = 5120
ZPT = ACC_R // NS
WPT = 312
WLAST = NH - (NS - 1) * WPT

ROW_BLK = 1000
GRID_I = N // ROW_BLK



def _stage1_body(ih_ref, h_ref, w1_ref, out_ref):
    w = w1_ref[...]
    out_ref[...] = (
        jnp.dot(ih_ref[...], w[:H, :], preferred_element_type=jnp.float32)
        + jnp.dot(h_ref[...], w[H:, :], preferred_element_type=jnp.float32)
    )


def _stage1(input_hidden, hidden, W1):
    return pl.pallas_call(
        _stage1_body,
        grid=(GRID_I, NC),
        in_specs=[
            pl.BlockSpec((ROW_BLK, H), lambda i, j: (i, 0)),
            pl.BlockSpec((ROW_BLK, H), lambda i, j: (i, 0)),
            pl.BlockSpec((IN, HH), lambda i, j: (0, j)),
        ],
        out_specs=pl.BlockSpec((ROW_BLK, HH), lambda i, j: (j * GRID_I + i, 0)),
        out_shape=jax.ShapeDtypeStruct((NC * N, HH), jnp.float32),
    )(input_hidden, hidden, W1)



def _sc_body(y_hbm, src_hbm, dsta_hbm, dstb_hbm, out_hbm,
             srcoff, dbuf, rows, rows1, sem, sem1, acc):
    c = lax.axis_index("c")
    s = lax.axis_index("s")

    pltpu.sync_copy(src_hbm.at[s], srcoff)

    yoff = c * N

    def _off_body(j, carry):
        for i in range(8):
            sl = pl.ds(j * 128 + i * 16, 16)
            srcoff[sl] = srcoff[sl] + yoff
        return carry

    lax.fori_loop(0, NB, _off_body, 0)

    ooff = c * N

    def _gather(j, buf, s_):
        pltpu.async_copy(y_hbm.at[srcoff.at[pl.ds(j * SBK, SBK)]], buf, s_)

    def _wait(j, buf, s_):
        pltpu.make_async_copy(
            y_hbm.at[srcoff.at[pl.ds(j * SBK, SBK)]], buf, s_).wait()

    for p in range(2):
        pltpu.sync_copy((dsta_hbm if p == 0 else dstb_hbm).at[s], dbuf)

        def _z_body(j, carry):
            for i in range(HH // 16):
                rows1[j, pl.ds(i * 16, 16)] = jnp.zeros((16,), jnp.float32)
            return carry

        lax.fori_loop(0, SBK, _z_body, 0)
        for off in range(0, ZPT, SBK):
            sz = min(SBK, ZPT - off)
            pltpu.sync_copy(rows1.at[pl.ds(0, sz)],
                            acc.at[pl.ds(s * ZPT + off, sz)])
        plsc.subcore_barrier()

        def _scatter(j, buf):
            pltpu.sync_copy(buf, acc.at[dbuf.at[pl.ds(j * SBK, SBK)]],
                            add=True)

        _gather(0, rows, sem)

        def _main_body(t, carry):
            _gather(2 * t + 1, rows1, sem1)
            _wait(2 * t, rows, sem)
            _scatter(2 * t, rows)
            _gather(2 * t + 2, rows, sem)
            _wait(2 * t + 1, rows1, sem1)
            _scatter(2 * t + 1, rows1)
            return carry

        lax.fori_loop(0, NSB // 2 - 1, _main_body, 0)
        _gather(NSB - 1, rows1, sem1)
        _wait(NSB - 2, rows, sem)
        _scatter(NSB - 2, rows)
        _wait(NSB - 1, rows1, sem1)
        _scatter(NSB - 1, rows1)

        plsc.subcore_barrier()

        soff = p * 8
        doff = ooff + p * NH

        @pl.when(s < NS - 1)
        def _():
            pltpu.sync_copy(acc.at[pl.ds(soff + s * WPT, WPT)],
                            out_hbm.at[pl.ds(doff + s * WPT, WPT)])

        @pl.when(s == NS - 1)
        def _():
            pltpu.sync_copy(acc.at[pl.ds(soff + (NS - 1) * WPT, WLAST)],
                            out_hbm.at[pl.ds(doff + (NS - 1) * WPT, WLAST)])

        plsc.subcore_barrier()


def _stage2(y_split, src_r, dsta_r, dstb_r):
    mesh = plsc.VectorSubcoreMesh(core_axis_name="c", subcore_axis_name="s")
    f = functools.partial(
        pl.kernel,
        mesh=mesh,
        out_type=jax.ShapeDtypeStruct((NC * N, HH), jnp.float32),
        scratch_types=[
            pltpu.VMEM((EPT,), jnp.int32),
            pltpu.VMEM((EPT,), jnp.int32),
            pltpu.VMEM((SBK, HH), jnp.float32),
            pltpu.VMEM((SBK, HH), jnp.float32),
            pltpu.SemaphoreType.DMA,
            pltpu.SemaphoreType.DMA,
            pltpu.VMEM_SHARED((ACC_R, HH), jnp.float32),
        ],
    )(_sc_body)
    return f(y_split, src_r, dsta_r, dstb_r)



def _stage3_body(y0_ref, y1_ref, a0_ref, a1_ref, b1_ref, w2_ref, b2_ref,
                 out_ref):
    z = jnp.concatenate(
        [y0_ref[...] + a0_ref[...], y1_ref[...] + a1_ref[...]], axis=1)
    hmat = jnp.maximum(z + b1_ref[...], 0.0)
    out_ref[...] = (
        jnp.dot(hmat, w2_ref[...], preferred_element_type=jnp.float32)
        + b2_ref[...]
    )


def _stage3(y_split, agg, b1, W2, b2):
    return pl.pallas_call(
        _stage3_body,
        grid=(GRID_I,),
        in_specs=[
            pl.BlockSpec((ROW_BLK, HH), lambda i: (i, 0)),
            pl.BlockSpec((ROW_BLK, HH), lambda i: (GRID_I + i, 0)),
            pl.BlockSpec((ROW_BLK, HH), lambda i: (i, 0)),
            pl.BlockSpec((ROW_BLK, HH), lambda i: (GRID_I + i, 0)),
            pl.BlockSpec((1, H), lambda i: (0, 0)),
            pl.BlockSpec((H, H), lambda i: (0, 0)),
            pl.BlockSpec((1, H), lambda i: (0, 0)),
        ],
        out_specs=pl.BlockSpec((ROW_BLK, H), lambda i: (i, 0)),
        out_shape=jax.ShapeDtypeStruct((N, H), jnp.float32),
    )(y_split, y_split, agg, agg,
      b1.reshape(1, H), W2, b2.reshape(1, H))



def kernel(input_hidden, hidden, last_hidden, batch_assignment, edge_index,
           W1, b1, W2, b2):
    y_split = _stage1(input_hidden, hidden, W1)

    pad = E_PAD - E
    src_p = jnp.concatenate([edge_index[0], jnp.zeros((pad,), jnp.int32)])
    dst_p = jnp.concatenate([edge_index[1], jnp.full((pad,), N, jnp.int32)])
    dsta = jnp.minimum(dst_p, NH)
    dstb = jnp.maximum(dst_p, NH - 8) - (NH - 8)
    src_r = src_p.reshape(NS, EPT)
    dsta_r = dsta.reshape(NS, EPT)
    dstb_r = dstb.reshape(NS, EPT)

    agg = _stage2(y_split, src_r, dsta_r, dstb_r)

    return _stage3(y_split, agg, b1, W2, b2)

# --- scband reference (transcript-rebuilt; emitter-appended) ---
"""Pipeline reference for scband-processor-16604343566343 (READ-ONLY COPY).

The authoritative reference and input builder live on the scoring server;
editing this copy changes nothing except your own understanding.
"""

import jax, jax.numpy as jnp
import numpy as np

N = 10000
E = 160000
H = 256
IN = 2 * H  # stacked input_hidden + hidden (PROCESSOR_USE_LAST_HIDDEN=False)


def setup_inputs(seed: int = 0) -> dict:
    key = jax.random.key(seed)
    ks = jax.random.split(key, 8)
    input_hidden = jax.random.normal(ks[0], (N, H), dtype=jnp.float32)
    hidden = jax.random.normal(ks[1], (N, H), dtype=jnp.float32)
    last_hidden = jax.random.normal(ks[2], (N, H), dtype=jnp.float32)
    batch_assignment = jnp.zeros((N,), dtype=jnp.int32)
    edge_index = jax.random.randint(ks[3], (2, E), 0, N, dtype=jnp.int32)
    W1 = jax.random.normal(ks[4], (IN, H), dtype=jnp.float32) * (1.0 / np.sqrt(IN))
    b1 = jnp.zeros((H,), dtype=jnp.float32)
    W2 = jax.random.normal(ks[5], (H, H), dtype=jnp.float32) * (1.0 / np.sqrt(H))
    b2 = jnp.zeros((H,), dtype=jnp.float32)
    return {
        "input_hidden": input_hidden,
        "hidden": hidden,
        "last_hidden": last_hidden,
        "batch_assignment": batch_assignment,
        "edge_index": edge_index,
        "W1": W1,
        "b1": b1,
        "W2": W2,
        "b2": b2,
    }


def reference(input_hidden, hidden, last_hidden, batch_assignment, edge_index, W1, b1, W2, b2):
    # stack_hidden with PROCESSOR_USE_LAST_HIDDEN=False -> concat(input_hidden, hidden)
    stacked = jnp.concatenate([input_hidden, hidden], axis=-1)  # [N, 2H]
    src = edge_index[0]
    dst = edge_index[1]
    # GINConv message passing: sum-aggregate neighbor features at dst
    msgs = jnp.take(stacked, src, axis=0)  # gather [E, 2H]
    agg = jax.ops.segment_sum(msgs, dst, num_segments=N)  # scatter-add [N, 2H]
    # (1 + eps) * x + agg, eps = 0
    z = stacked + agg
    # GIN MLP: Linear(2H->H) -> ReLU -> Linear(H->H)
    h = jnp.maximum(z @ W1 + b1, 0.0)
    out = h @ W2 + b2
    return out

if __name__ == "__main__":
    import jax
    _d = setup_inputs()
    print(jax.jit(kernel)(*tuple(_d.values())))

</pallas_src>

<mosaic_0001>
#map = affine_map<(d0, d1) -> (0, 0)>
module attributes {stable_mosaic.version = 14 : i64} {
  func.func @_sc_body(%arg0: i32, %arg1: i32, %arg2: memref<20000x128xf32, #tpu.memory_space<hbm>>, %arg3: memref<16x10240xi32, #tpu.memory_space<hbm>>, %arg4: memref<16x10240xi32, #tpu.memory_space<hbm>>, %arg5: memref<16x10240xi32, #tpu.memory_space<hbm>>, %arg6: memref<20000x128xf32, #tpu.memory_space<hbm>>, %arg7: memref<10240xi32, #tpu.memory_space<vmem>>, %arg8: memref<10240xi32, #tpu.memory_space<vmem>>, %arg9: memref<256x128xf32, #tpu.memory_space<vmem>>, %arg10: memref<256x128xf32, #tpu.memory_space<vmem>>, %arg11: memref<!tpu.dma_semaphore, #tpu.memory_space<semaphore_mem>>, %arg12: memref<!tpu.dma_semaphore, #tpu.memory_space<semaphore_mem>>, %arg13: memref<5120x128xf32, #tpu.memory_space<vmem_shared>>) attributes {dimension_semantics = [#tpu.dimension_semantics<core_parallel>, #tpu.dimension_semantics<subcore_parallel>], iteration_bounds = array<i64: 2, 16>, scalar_prefetch = 0 : i64, scratch_operands = 7 : i64, tpu.core_type = #tpu.core_type<sc_vector_subcore>, window_params = [{transform_indices = #map}, {transform_indices = #map}, {transform_indices = #map}, {transform_indices = #map}, {transform_indices = #map}]} {
    "tpu.region"() ({
      %run_scoped3A = tpu.sem_alloc : memref<!tpu.dma_semaphore, #tpu.memory_space<semaphore_mem>>
      %dma_start3A_110 = arith.constant 0 : i32
      %dma_start3A_111 = tpu.memref_slice %arg3[%arg1, %dma_start3A_110] : memref<16x10240xi32, #tpu.memory_space<hbm>> -> memref<1x10240xi32, #tpu.memory_space<hbm>>
      %dma_start3A_112 = tpu.memref_squeeze %dma_start3A_111 : memref<1x10240xi32, #tpu.memory_space<hbm>> -> memref<10240xi32, #tpu.memory_space<hbm>>
      %dma_start3A_113 = arith.constant 0 : i32
      %dma_start3A_114 = tpu.memref_slice %arg3[%arg1, %dma_start3A_113] : memref<16x10240xi32, #tpu.memory_space<hbm>> -> memref<1x10240xi32, #tpu.memory_space<hbm>>
      %dma_start3A_115 = tpu.memref_squeeze %dma_start3A_114 : memref<1x10240xi32, #tpu.memory_space<hbm>> -> memref<10240xi32, #tpu.memory_space<hbm>>
      tpu.enqueue_dma source(%dma_start3A_115 : memref<10240xi32, #tpu.memory_space<hbm>>) target(%arg7 : memref<10240xi32, #tpu.memory_space<vmem>>) target_semaphore(%run_scoped3A : memref<!tpu.dma_semaphore, #tpu.memory_space<semaphore_mem>>)
      %dma_wait3A_116 = arith.constant 0 : i32
      %dma_wait3A_117 = tpu.memref_slice %arg3[%arg1, %dma_wait3A_116] : memref<16x10240xi32, #tpu.memory_space<hbm>> -> memref<1x10240xi32, #tpu.memory_space<hbm>>
      %dma_wait3A_118 = tpu.memref_squeeze %dma_wait3A_117 : memref<1x10240xi32, #tpu.memory_space<hbm>> -> memref<10240xi32, #tpu.memory_space<hbm>>
      %dma_wait3A_119 = arith.constant 0 : i32
      %dma_wait3A_120 = tpu.memref_slice %arg3[%arg1, %dma_wait3A_119] : memref<16x10240xi32, #tpu.memory_space<hbm>> -> memref<1x10240xi32, #tpu.memory_space<hbm>>
      %dma_wait3A_121 = tpu.memref_squeeze %dma_wait3A_120 : memref<1x10240xi32, #tpu.memory_space<hbm>> -> memref<10240xi32, #tpu.memory_space<hbm>>
      tpu.wait_dma2 semaphore(%run_scoped3A : memref<!tpu.dma_semaphore, #tpu.memory_space<semaphore_mem>>) src(%dma_wait3A_121 : memref<10240xi32, #tpu.memory_space<hbm>>) dst(%arg7 : memref<10240xi32, #tpu.memory_space<vmem>>)
      tpu.yield
    }) : () -> ()
    %mul3A = arith.constant 10000 : i32
    %mul3A_0 = arith.muli %arg0, %mul3A : i32
    %scan3A = arith.constant 0 : i32
    %scan3A_1 = arith.constant 0 : i32
    %scan3A_2 = arith.constant 80 : i32
    %scan3A_3 = arith.addi %scan3A_1, %scan3A_2 : i32
    %scan3A_4 = arith.constant 1 : i32
    scf.for %scan3A_110 = %scan3A_1 to %scan3A_3 step %scan3A_4  : i32 {
      %mul3A_111 = arith.constant 128 : i32
      %mul3A_112 = arith.muli %scan3A_110, %mul3A_111 : i32
      %add3A_113 = arith.constant 0 : i32
      %add3A_114 = arith.addi %mul3A_112, %add3A_113 : i32
      %get3A = arith.index_cast %add3A_114 : i32 to index
      %get3A_115 = tpu.vector_load %arg7[%get3A] {strides = array<i32>} : memref<10240xi32, #tpu.memory_space<vmem>>, vector<16xi32>,
      %get3A_116 = vector.shape_cast %get3A_115 : vector<16xi32> to vector<16xi32>
      %add3A_117 = vector.broadcast %mul3A_0 : i32 to vector<16xi32>
      %add3A_118 = arith.addi %get3A_116, %add3A_117 : vector<16xi32>
      %swap3A = arith.index_cast %add3A_114 : i32 to index
      %swap3A_119 = tpu.vector_load %arg7[%swap3A] {strides = array<i32>} : memref<10240xi32, #tpu.memory_space<vmem>>, vector<16xi32>,
      %swap3A_120 = vector.shape_cast %swap3A_119 : vector<16xi32> to vector<16xi32>
      %swap3A_121 = vector.shape_cast %add3A_118 : vector<16xi32> to vector<16xi32>
      tpu.vector_store %arg7[%swap3A], %swap3A_121 {strides = array<i32>} : memref<10240xi32, #tpu.memory_space<vmem>>, vector<16xi32>,
      %mul3A_122 = arith.constant 128 : i32
      %mul3A_123 = arith.muli %scan3A_110, %mul3A_122 : i32
      %add3A_124 = arith.constant 16 : i32
      %add3A_125 = arith.addi %mul3A_123, %add3A_124 : i32
      %get3A_126 = arith.index_cast %add3A_125 : i32 to index
      %get3A_127 = tpu.vector_load %arg7[%get3A_126] {strides = array<i32>} : memref<10240xi32, #tpu.memory_space<vmem>>, vector<16xi32>,
      %get3A_128 = vector.shape_cast %get3A_127 : vector<16xi32> to vector<16xi32>
      %add3A_129 = vector.broadcast %mul3A_0 : i32 to vector<16xi32>
      %add3A_130 = arith.addi %get3A_128, %add3A_129 : vector<16xi32>
      %swap3A_131 = arith.index_cast %add3A_125 : i32 to index
      %swap3A_132 = tpu.vector_load %arg7[%swap3A_131] {strides = array<i32>} : memref<10240xi32, #tpu.memory_space<vmem>>, vector<16xi32>,
      %swap3A_133 = vector.shape_cast %swap3A_132 : vector<16xi32> to vector<16xi32>
      %swap3A_134 = vector.shape_cast %add3A_130 : vector<16xi32> to vector<16xi32>
      tpu.vector_store %arg7[%swap3A_131], %swap3A_134 {strides = array<i32>} : memref<10240xi32, #tpu.memory_space<vmem>>, vector<16xi32>,
      %mul3A_135 = arith.constant 128 : i32
      %mul3A_136 = arith.muli %scan3A_110, %mul3A_135 : i32
      %add3A_137 = arith.constant 32 : i32
      %add3A_138 = arith.addi %mul3A_136, %add3A_137 : i32
      %get3A_139 = arith.index_cast %add3A_138 : i32 to index
      %get3A_140 = tpu.vector_load %arg7[%get3A_139] {strides = array<i32>} : memref<10240xi32, #tpu.memory_space<vmem>>, vector<16xi32>,
      %get3A_141 = vector.shape_cast %get3A_140 : vector<16xi32> to vector<16xi32>
      %add3A_142 = vector.broadcast %mul3A_0 : i32 to vector<16xi32>
      %add3A_143 = arith.addi %get3A_141, %add3A_142 : vector<16xi32>
      %swap3A_144 = arith.index_cast %add3A_138 : i32 to index
      %swap3A_145 = tpu.vector_load %arg7[%swap3A_144] {strides = array<i32>} : memref<10240xi32, #tpu.memory_space<vmem>>, vector<16xi32>,
      %swap3A_146 = vector.shape_cast %swap3A_145 : vector<16xi32> to vector<16xi32>
      %swap3A_147 = vector.shape_cast %add3A_143 : vector<16xi32> to vector<16xi32>
      tpu.vector_store %arg7[%swap3A_144], %swap3A_147 {strides = array<i32>} : memref<10240xi32, #tpu.memory_space<vmem>>, vector<16xi32>,
      %mul3A_148 = arith.constant 128 : i32
      %mul3A_149 = arith.muli %scan3A_110, %mul3A_148 : i32
      %add3A_150 = arith.constant 48 : i32
      %add3A_151 = arith.addi %mul3A_149, %add3A_150 : i32
      %get3A_152 = arith.index_cast %add3A_151 : i32 to index
      %get3A_153 = tpu.vector_load %arg7[%get3A_152] {strides = array<i32>} : memref<10240xi32, #tpu.memory_space<vmem>>, vector<16xi32>,
      %get3A_154 = vector.shape_cast %get3A_153 : vector<16xi32> to vector<16xi32>
      %add3A_155 = vector.broadcast %mul3A_0 : i32 to vector<16xi32>
      %add3A_156 = arith.addi %get3A_154, %add3A_155 : vector<16xi32>
      %swap3A_157 = arith.index_cast %add3A_151 : i32 to index
      %swap3A_158 = tpu.vector_load %arg7[%swap3A_157] {strides = array<i32>} : memref<10240xi32, #tpu.memory_space<vmem>>, vector<16xi32>,
      %swap3A_159 = vector.shape_cast %swap3A_158 : vector<16xi32> to vector<16xi32>
      %swap3A_160 = vector.shape_cast %add3A_156 : vector<16xi32> to vector<16xi32>
      tpu.vector_store %arg7[%swap3A_157], %swap3A_160 {strides = array<i32>} : memref<10240xi32, #tpu.memory_space<vmem>>, vector<16xi32>,
      %mul3A_161 = arith.constant 128 : i32
      %mul3A_162 = arith.muli %scan3A_110, %mul3A_161 : i32
      %add3A_163 = arith.constant 64 : i32
      %add3A_164 = arith.addi %mul3A_162, %add3A_163 : i32
      %get3A_165 = arith.index_cast %add3A_164 : i32 to index
      %get3A_166 = tpu.vector_load %arg7[%get3A_165] {strides = array<i32>} : memref<10240xi32, #tpu.memory_space<vmem>>, vector<16xi32>,
      %get3A_167 = vector.shape_cast %get3A_166 : vector<16xi32> to vector<16xi32>
      %add3A_168 = vector.broadcast %mul3A_0 : i32 to vector<16xi32>
      %add3A_169 = arith.addi %get3A_167, %add3A_168 : vector<16xi32>
      %swap3A_170 = arith.index_cast %add3A_164 : i32 to index
      %swap3A_171 = tpu.vector_load %arg7[%swap3A_170] {strides = array<i32>} : memref<10240xi32, #tpu.memory_space<vmem>>, vector<16xi32>,
      %swap3A_172 = vector.shape_cast %swap3A_171 : vector<16xi32> to vector<16xi32>
      %swap3A_173 = vector.shape_cast %add3A_169 : vector<16xi32> to vector<16xi32>
      tpu.vector_store %arg7[%swap3A_170], %swap3A_173 {strides = array<i32>} : memref<10240xi32, #tpu.memory_space<vmem>>, vector<16xi32>,
      %mul3A_174 = arith.constant 128 : i32
      %mul3A_175 = arith.muli %scan3A_110, %mul3A_174 : i32
      %add3A_176 = arith.constant 80 : i32
      %add3A_177 = arith.addi %mul3A_175, %add3A_176 : i32
      %get3A_178 = arith.index_cast %add3A_177 : i32 to index
      %get3A_179 = tpu.vector_load %arg7[%get3A_178] {strides = array<i32>} : memref<10240xi32, #tpu.memory_space<vmem>>, vector<16xi32>,
      %get3A_180 = vector.shape_cast %get3A_179 : vector<16xi32> to vector<16xi32>
      %add3A_181 = vector.broadcast %mul3A_0 : i32 to vector<16xi32>
      %add3A_182 = arith.addi %get3A_180, %add3A_181 : vector<16xi32>
      %swap3A_183 = arith.index_cast %add3A_177 : i32 to index
      %swap3A_184 = tpu.vector_load %arg7[%swap3A_183] {strides = array<i32>} : memref<10240xi32, #tpu.memory_space<vmem>>, vector<16xi32>,
      %swap3A_185 = vector.shape_cast %swap3A_184 : vector<16xi32> to vector<16xi32>
      %swap3A_186 = vector.shape_cast %add3A_182 : vector<16xi32> to vector<16xi32>
      tpu.vector_store %arg7[%swap3A_183], %swap3A_186 {strides = array<i32>} : memref<10240xi32, #tpu.memory_space<vmem>>, vector<16xi32>,
      %mul3A_187 = arith.constant 128 : i32
      %mul3A_188 = arith.muli %scan3A_110, %mul3A_187 : i32
      %add3A_189 = arith.constant 96 : i32
      %add3A_190 = arith.addi %mul3A_188, %add3A_189 : i32
      %get3A_191 = arith.index_cast %add3A_190 : i32 to index
      %get3A_192 = tpu.vector_load %arg7[%get3A_191] {strides = array<i32>} : memref<10240xi32, #tpu.memory_space<vmem>>, vector<16xi32>,
      %get3A_193 = vector.shape_cast %get3A_192 : vector<16xi32> to vector<16xi32>
      %add3A_194 = vector.broadcast %mul3A_0 : i32 to vector<16xi32>
      %add3A_195 = arith.addi %get3A_193, %add3A_194 : vector<16xi32>
      %swap3A_196 = arith.index_cast %add3A_190 : i32 to index
      %swap3A_197 = tpu.vector_load %arg7[%swap3A_196] {strides = array<i32>} : memref<10240xi32, #tpu.memory_space<vmem>>, vector<16xi32>,
      %swap3A_198 = vector.shape_cast %swap3A_197 : vector<16xi32> to vector<16xi32>
      %swap3A_199 = vector.shape_cast %add3A_195 : vector<16xi32> to vector<16xi32>
      tpu.vector_store %arg7[%swap3A_196], %swap3A_199 {strides = array<i32>} : memref<10240xi32, #tpu.memory_space<vmem>>, vector<16xi32>,
      %mul3A_200 = arith.constant 128 : i32
      %mul3A_201 = arith.muli %scan3A_110, %mul3A_200 : i32
      %add3A_202 = arith.constant 112 : i32
      %add3A_203 = arith.addi %mul3A_201, %add3A_202 : i32
      %get3A_204 = arith.index_cast %add3A_203 : i32 to index
      %get3A_205 = tpu.vector_load %arg7[%get3A_204] {strides = array<i32>} : memref<10240xi32, #tpu.memory_space<vmem>>, vector<16xi32>,
      %get3A_206 = vector.shape_cast %get3A_205 : vector<16xi32> to vector<16xi32>
      %add3A_207 = vector.broadcast %mul3A_0 : i32 to vector<16xi32>
      %add3A_208 = arith.addi %get3A_206, %add3A_207 : vector<16xi32>
      %swap3A_209 = arith.index_cast %add3A_203 : i32 to index
      %swap3A_210 = tpu.vector_load %arg7[%swap3A_209] {strides = array<i32>} : memref<10240xi32, #tpu.memory_space<vmem>>, vector<16xi32>,
      %swap3A_211 = vector.shape_cast %swap3A_210 : vector<16xi32> to vector<16xi32>
      %swap3A_212 = vector.shape_cast %add3A_208 : vector<16xi32> to vector<16xi32>
      tpu.vector_store %arg7[%swap3A_209], %swap3A_212 {strides = array<i32>} : memref<10240xi32, #tpu.memory_space<vmem>>, vector<16xi32>,
    }
    %scan3A_5 = arith.constant 80 : i32
    %mul3A_6 = arith.constant 10000 : i32
    %mul3A_7 = arith.muli %arg0, %mul3A_6 : i32
    "tpu.region"() ({
      %run_scoped3A = tpu.sem_alloc : memref<!tpu.dma_semaphore, #tpu.memory_space<semaphore_mem>>
      %dma_start3A_110 = arith.constant 0 : i32
      %dma_start3A_111 = tpu.memref_slice %arg4[%arg1, %dma_start3A_110] : memref<16x10240xi32, #tpu.memory_space<hbm>> -> memref<1x10240xi32, #tpu.memory_space<hbm>>
      %dma_start3A_112 = tpu.memref_squeeze %dma_start3A_111 : memref<1x10240xi32, #tpu.memory_space<hbm>> -> memref<10240xi32, #tpu.memory_space<hbm>>
      %dma_start3A_113 = arith.constant 0 : i32
      %dma_start3A_114 = tpu.memref_slice %arg4[%arg1, %dma_start3A_113] : memref<16x10240xi32, #tpu.memory_space<hbm>> -> memref<1x10240xi32, #tpu.memory_space<hbm>>
      %dma_start3A_115 = tpu.memref_squeeze %dma_start3A_114 : memref<1x10240xi32, #tpu.memory_space<hbm>> -> memref<10240xi32, #tpu.memory_space<hbm>>
      tpu.enqueue_dma source(%dma_start3A_115 : memref<10240xi32, #tpu.memory_space<hbm>>) target(%arg8 : memref<10240xi32, #tpu.memory_space<vmem>>) target_semaphore(%run_scoped3A : memref<!tpu.dma_semaphore, #tpu.memory_space<semaphore_mem>>)
      %dma_wait3A_116 = arith.constant 0 : i32
      %dma_wait3A_117 = tpu.memref_slice %arg4[%arg1, %dma_wait3A_116] : memref<16x10240xi32, #tpu.memory_space<hbm>> -> memref<1x10240xi32, #tpu.memory_space<hbm>>
      %dma_wait3A_118 = tpu.memref_squeeze %dma_wait3A_117 : memref<1x10240xi32, #tpu.memory_space<hbm>> -> memref<10240xi32, #tpu.memory_space<hbm>>
      %dma_wait3A_119 = arith.constant 0 : i32
      %dma_wait3A_120 = tpu.memref_slice %arg4[%arg1, %dma_wait3A_119] : memref<16x10240xi32, #tpu.memory_space<hbm>> -> memref<1x10240xi32, #tpu.memory_space<hbm>>
      %dma_wait3A_121 = tpu.memref_squeeze %dma_wait3A_120 : memref<1x10240xi32, #tpu.memory_space<hbm>> -> memref<10240xi32, #tpu.memory_space<hbm>>
      tpu.wait_dma2 semaphore(%run_scoped3A : memref<!tpu.dma_semaphore, #tpu.memory_space<semaphore_mem>>) src(%dma_wait3A_121 : memref<10240xi32, #tpu.memory_space<hbm>>) dst(%arg8 : memref<10240xi32, #tpu.memory_space<vmem>>)
      tpu.yield
    }) : () -> ()
    %scan3A_8 = arith.constant 0 : i32
    %scan3A_9 = arith.constant 0 : i32
    %scan3A_10 = arith.constant 256 : i32
    %scan3A_11 = arith.addi %scan3A_9, %scan3A_10 : i32
    %scan3A_12 = arith.constant 1 : i32
    scf.for %scan3A_110 = %scan3A_9 to %scan3A_11 step %scan3A_12  : i32 {
      %broadcast_in_dim3A = arith.constant 0.000000e+00 : f32
      %broadcast_in_dim3A_111 = vector.broadcast %broadcast_in_dim3A : f32 to vector<16xf32>
      %swap3A = arith.index_cast %scan3A_110 : i32 to index
      %swap3A_112 = arith.constant 0 : index
      %swap3A_113 = tpu.vector_load %arg10[%swap3A, %swap3A_112] {strides = array<i32>} : memref<256x128xf32, #tpu.memory_space<vmem>>, vector<1x16xf32>,
      %swap3A_114 = vector.shape_cast %swap3A_113 : vector<1x16xf32> to vector<16xf32>
      %swap3A_115 = vector.shape_cast %broadcast_in_dim3A_111 : vector<16xf32> to vector<1x16xf32>
      tpu.vector_store %arg10[%swap3A, %swap3A_112], %swap3A_115 {strides = array<i32>} : memref<256x128xf32, #tpu.memory_space<vmem>>, vector<1x16xf32>,
      %broadcast_in_dim3A_116 = arith.constant 0.000000e+00 : f32
      %broadcast_in_dim3A_117 = vector.broadcast %broadcast_in_dim3A_116 : f32 to vector<16xf32>
      %swap3A_118 = arith.index_cast %scan3A_110 : i32 to index
      %swap3A_119 = arith.constant 16 : index
      %swap3A_120 = tpu.vector_load %arg10[%swap3A_118, %swap3A_119] {strides = array<i32>} : memref<256x128xf32, #tpu.memory_space<vmem>>, vector<1x16xf32>,
      %swap3A_121 = vector.shape_cast %swap3A_120 : vector<1x16xf32> to vector<16xf32>
      %swap3A_122 = vector.shape_cast %broadcast_in_dim3A_117 : vector<16xf32> to vector<1x16xf32>
      tpu.vector_store %arg10[%swap3A_118, %swap3A_119], %swap3A_122 {strides = array<i32>} : memref<256x128xf32, #tpu.memory_space<vmem>>, vector<1x16xf32>,
      %broadcast_in_dim3A_123 = arith.constant 0.000000e+00 : f32
      %broadcast_in_dim3A_124 = vector.broadcast %broadcast_in_dim3A_123 : f32 to vector<16xf32>
      %swap3A_125 = arith.index_cast %scan3A_110 : i32 to index
      %swap3A_126 = arith.constant 32 : index
      %swap3A_127 = tpu.vector_load %arg10[%swap3A_125, %swap3A_126] {strides = array<i32>} : memref<256x128xf32, #tpu.memory_space<vmem>>, vector<1x16xf32>,
      %swap3A_128 = vector.shape_cast %swap3A_127 : vector<1x16xf32> to vector<16xf32>
      %swap3A_129 = vector.shape_cast %broadcast_in_dim3A_124 : vector<16xf32> to vector<1x16xf32>
      tpu.vector_store %arg10[%swap3A_125, %swap3A_126], %swap3A_129 {strides = array<i32>} : memref<256x128xf32, #tpu.memory_space<vmem>>, vector<1x16xf32>,
      %broadcast_in_dim3A_130 = arith.constant 0.000000e+00 : f32
      %broadcast_in_dim3A_131 = vector.broadcast %broadcast_in_dim3A_130 : f32 to vector<16xf32>
      %swap3A_132 = arith.index_cast %scan3A_110 : i32 to index
      %swap3A_133 = arith.constant 48 : index
      %swap3A_134 = tpu.vector_load %arg10[%swap3A_132, %swap3A_133] {strides = array<i32>} : memref<256x128xf32, #tpu.memory_space<vmem>>, vector<1x16xf32>,
      %swap3A_135 = vector.shape_cast %swap3A_134 : vector<1x16xf32> to vector<16xf32>
      %swap3A_136 = vector.shape_cast %broadcast_in_dim3A_131 : vector<16xf32> to vector<1x16xf32>
      tpu.vector_store %arg10[%swap3A_132, %swap3A_133], %swap3A_136 {strides = array<i32>} : memref<256x128xf32, #tpu.memory_space<vmem>>, vector<1x16xf32>,
      %broadcast_in_dim3A_137 = arith.constant 0.000000e+00 : f32
      %broadcast_in_dim3A_138 = vector.broadcast %broadcast_in_dim3A_137 : f32 to vector<16xf32>
      %swap3A_139 = arith.index_cast %scan3A_110 : i32 to index
      %swap3A_140 = arith.constant 64 : index
      %swap3A_141 = tpu.vector_load %arg10[%swap3A_139, %swap3A_140] {strides = array<i32>} : memref<256x128xf32, #tpu.memory_space<vmem>>, vector<1x16xf32>,
      %swap3A_142 = vector.shape_cast %swap3A_141 : vector<1x16xf32> to vector<16xf32>
      %swap3A_143 = vector.shape_cast %broadcast_in_dim3A_138 : vector<16xf32> to vector<1x16xf32>
      tpu.vector_store %arg10[%swap3A_139, %swap3A_140], %swap3A_143 {strides = array<i32>} : memref<256x128xf32, #tpu.memory_space<vmem>>, vector<1x16xf32>,
      %broadcast_in_dim3A_144 = arith.constant 0.000000e+00 : f32
      %broadcast_in_dim3A_145 = vector.broadcast %broadcast_in_dim3A_144 : f32 to vector<16xf32>
      %swap3A_146 = arith.index_cast %scan3A_110 : i32 to index
      %swap3A_147 = arith.constant 80 : index
      %swap3A_148 = tpu.vector_load %arg10[%swap3A_146, %swap3A_147] {strides = array<i32>} : memref<256x128xf32, #tpu.memory_space<vmem>>, vector<1x16xf32>,
      %swap3A_149 = vector.shape_cast %swap3A_148 : vector<1x16xf32> to vector<16xf32>
      %swap3A_150 = vector.shape_cast %broadcast_in_dim3A_145 : vector<16xf32> to vector<1x16xf32>
      tpu.vector_store %arg10[%swap3A_146, %swap3A_147], %swap3A_150 {strides = array<i32>} : memref<256x128xf32, #tpu.memory_space<vmem>>, vector<1x16xf32>,
      %broadcast_in_dim3A_151 = arith.constant 0.000000e+00 : f32
      %broadcast_in_dim3A_152 = vector.broadcast %broadcast_in_dim3A_151 : f32 to vector<16xf32>
      %swap3A_153 = arith.index_cast %scan3A_110 : i32 to index
      %swap3A_154 = arith.constant 96 : index
      %swap3A_155 = tpu.vector_load %arg10[%swap3A_153, %swap3A_154] {strides = array<i32>} : memref<256x128xf32, #tpu.memory_space<vmem>>, vector<1x16xf32>,
      %swap3A_156 = vector.shape_cast %swap3A_155 : vector<1x16xf32> to vector<16xf32>
      %swap3A_157 = vector.shape_cast %broadcast_in_dim3A_152 : vector<16xf32> to vector<1x16xf32>
      tpu.vector_store %arg10[%swap3A_153, %swap3A_154], %swap3A_157 {strides = array<i32>} : memref<256x128xf32, #tpu.memory_space<vmem>>, vector<1x16xf32>,
      %broadcast_in_dim3A_158 = arith.constant 0.000000e+00 : f32
      %broadcast_in_dim3A_159 = vector.broadcast %broadcast_in_dim3A_158 : f32 to vector<16xf32>
      %swap3A_160 = arith.index_cast %scan3A_110 : i32 to index
      %swap3A_161 = arith.constant 112 : index
      %swap3A_162 = tpu.vector_load %arg10[%swap3A_160, %swap3A_161] {strides = array<i32>} : memref<256x128xf32, #tpu.memory_space<vmem>>, vector<1x16xf32>,
      %swap3A_163 = vector.shape_cast %swap3A_162 : vector<1x16xf32> to vector<16xf32>
      %swap3A_164 = vector.shape_cast %broadcast_in_dim3A_159 : vector<16xf32> to vector<1x16xf32>
      tpu.vector_store %arg10[%swap3A_160, %swap3A_161], %swap3A_164 {strides = array<i32>} : memref<256x128xf32, #tpu.memory_space<vmem>>, vector<1x16xf32>,
    }
    %scan3A_13 = arith.constant 256 : i32
    %mul3A_14 = arith.constant 320 : i32
    %mul3A_15 = arith.muli %arg1, %mul3A_14 : i32
    %add3A = arith.constant 0 : i32
    %add3A_16 = arith.addi %mul3A_15, %add3A : i32
    "tpu.region"() ({
      %run_scoped3A = tpu.sem_alloc : memref<!tpu.dma_semaphore, #tpu.memory_space<semaphore_mem>>
      %dma_start3A_110 = arith.constant 0 : i32
      %dma_start3A_111 = arith.constant 0 : i32
      %dma_start3A_112 = tpu.memref_slice %arg10[%dma_start3A_110, %dma_start3A_111] : memref<256x128xf32, #tpu.memory_space<vmem>> -> memref<256x128xf32, #tpu.memory_space<vmem>>
      %dma_start3A_113 = arith.constant 0 : i32
      %dma_start3A_114 = tpu.memref_slice %arg13[%add3A_16, %dma_start3A_113] : memref<5120x128xf32, #tpu.memory_space<vmem_shared>> -> memref<256x128xf32, #tpu.memory_space<vmem_shared>>
      %dma_start3A_115 = arith.constant 0 : i32
      %dma_start3A_116 = tpu.memref_slice %arg13[%add3A_16, %dma_start3A_115] : memref<5120x128xf32, #tpu.memory_space<vmem_shared>> -> memref<256x128xf32, #tpu.memory_space<vmem_shared>>
      %dma_start3A_117 = arith.constant 0 : i32
      %dma_start3A_118 = arith.constant 0 : i32
      %dma_start3A_119 = tpu.memref_slice %arg10[%dma_start3A_117, %dma_start3A_118] : memref<256x128xf32, #tpu.memory_space<vmem>> -> memref<256x128xf32, #tpu.memory_space<vmem>>
      tpu.enqueue_dma source(%dma_start3A_119 : memref<256x128xf32, #tpu.memory_space<vmem>>) target(%dma_start3A_116 : memref<256x128xf32, #tpu.memory_space<vmem_shared>>) target_semaphore(%run_scoped3A : memref<!tpu.dma_semaphore, #tpu.memory_space<semaphore_mem>>)
      %dma_wait3A_120 = arith.constant 0 : i32
      %dma_wait3A_121 = arith.constant 0 : i32
      %dma_wait3A_122 = tpu.memref_slice %arg10[%dma_wait3A_120, %dma_wait3A_121] : memref<256x128xf32, #tpu.memory_space<vmem>> -> memref<256x128xf32, #tpu.memory_space<vmem>>
      %dma_wait3A_123 = arith.constant 0 : i32
      %dma_wait3A_124 = tpu.memref_slice %arg13[%add3A_16, %dma_wait3A_123] : memref<5120x128xf32, #tpu.memory_space<vmem_shared>> -> memref<256x128xf32, #tpu.memory_space<vmem_shared>>
      %dma_wait3A_125 = arith.constant 0 : i32
      %dma_wait3A_126 = tpu.memref_slice %arg13[%add3A_16, %dma_wait3A_125] : memref<5120x128xf32, #tpu.memory_space<vmem_shared>> -> memref<256x128xf32, #tpu.memory_space<vmem_shared>>
      %dma_wait3A_127 = arith.constant 0 : i32
      %dma_wait3A_128 = arith.constant 0 : i32
      %dma_wait3A_129 = tpu.memref_slice %arg10[%dma_wait3A_127, %dma_wait3A_128] : memref<256x128xf32, #tpu.memory_space<vmem>> -> memref<256x128xf32, #tpu.memory_space<vmem>>
      tpu.wait_dma2 semaphore(%run_scoped3A : memref<!tpu.dma_semaphore, #tpu.memory_space<semaphore_mem>>) src(%dma_wait3A_129 : memref<256x128xf32, #tpu.memory_space<vmem>>) dst(%dma_wait3A_126 : memref<256x128xf32, #tpu.memory_space<vmem_shared>>)
      tpu.yield
    }) : () -> ()
    %mul3A_17 = arith.constant 320 : i32
    %mul3A_18 = arith.muli %arg1, %mul3A_17 : i32
    %add3A_19 = arith.constant 256 : i32
    %add3A_20 = arith.addi %mul3A_18, %add3A_19 : i32
    "tpu.region"() ({
      %run_scoped3A = tpu.sem_alloc : memref<!tpu.dma_semaphore, #tpu.memory_space<semaphore_mem>>
      %dma_start3A_110 = arith.constant 0 : i32
      %dma_start3A_111 = arith.constant 0 : i32
      %dma_start3A_112 = tpu.memref_slice %arg10[%dma_start3A_110, %dma_start3A_111] : memref<256x128xf32, #tpu.memory_space<vmem>> -> memref<64x128xf32, #tpu.memory_space<vmem>>
      %dma_start3A_113 = arith.constant 0 : i32
      %dma_start3A_114 = tpu.memref_slice %arg13[%add3A_20, %dma_start3A_113] : memref<5120x128xf32, #tpu.memory_space<vmem_shared>> -> memref<64x128xf32, #tpu.memory_space<vmem_shared>>
      %dma_start3A_115 = arith.constant 0 : i32
      %dma_start3A_116 = tpu.memref_slice %arg13[%add3A_20, %dma_start3A_115] : memref<5120x128xf32, #tpu.memory_space<vmem_shared>> -> memref<64x128xf32, #tpu.memory_space<vmem_shared>>
      %dma_start3A_117 = arith.constant 0 : i32
      %dma_start3A_118 = arith.constant 0 : i32
      %dma_start3A_119 = tpu.memref_slice %arg10[%dma_start3A_117, %dma_start3A_118] : memref<256x128xf32, #tpu.memory_space<vmem>> -> memref<64x128xf32, #tpu.memory_space<vmem>>
      tpu.enqueue_dma source(%dma_start3A_119 : memref<64x128xf32, #tpu.memory_space<vmem>>) target(%dma_start3A_116 : memref<64x128xf32, #tpu.memory_space<vmem_shared>>) target_semaphore(%run_scoped3A : memref<!tpu.dma_semaphore, #tpu.memory_space<semaphore_mem>>)
      %dma_wait3A_120 = arith.constant 0 : i32
      %dma_wait3A_121 = arith.constant 0 : i32
      %dma_wait3A_122 = tpu.memref_slice %arg10[%dma_wait3A_120, %dma_wait3A_121] : memref<256x128xf32, #tpu.memory_space<vmem>> -> memref<64x128xf32, #tpu.memory_space<vmem>>
      %dma_wait3A_123 = arith.constant 0 : i32
      %dma_wait3A_124 = tpu.memref_slice %arg13[%add3A_20, %dma_wait3A_123] : memref<5120x128xf32, #tpu.memory_space<vmem_shared>> -> memref<64x128xf32, #tpu.memory_space<vmem_shared>>
      %dma_wait3A_125 = arith.constant 0 : i32
      %dma_wait3A_126 = tpu.memref_slice %arg13[%add3A_20, %dma_wait3A_125] : memref<5120x128xf32, #tpu.memory_space<vmem_shared>> -> memref<64x128xf32, #tpu.memory_space<vmem_shared>>
      %dma_wait3A_127 = arith.constant 0 : i32
      %dma_wait3A_128 = arith.constant 0 : i32
      %dma_wait3A_129 = tpu.memref_slice %arg10[%dma_wait3A_127, %dma_wait3A_128] : memref<256x128xf32, #tpu.memory_space<vmem>> -> memref<64x128xf32, #tpu.memory_space<vmem>>
      tpu.wait_dma2 semaphore(%run_scoped3A : memref<!tpu.dma_semaphore, #tpu.memory_space<semaphore_mem>>) src(%dma_wait3A_129 : memref<64x128xf32, #tpu.memory_space<vmem>>) dst(%dma_wait3A_126 : memref<64x128xf32, #tpu.memory_space<vmem_shared>>)
      tpu.yield
    }) : () -> ()
    %barrier3A = arith.constant 0 : index
    tpu.barrier barrier_id(%barrier3A)
    %dma_start3A = arith.constant 0 : i32
    %dma_start3A_21 = tpu.memref_slice %arg7[%dma_start3A] : memref<10240xi32, #tpu.memory_space<vmem>> -> memref<256xi32, #tpu.memory_space<vmem>>
    %dma_start3A_22 = arith.constant 0 : i32
    %dma_start3A_23 = arith.constant 0 : i32
    %dma_start3A_24 = tpu.memref_slice %arg2[%dma_start3A_22, %dma_start3A_23] : memref<20000x128xf32, #tpu.memory_space<hbm>> -> memref<20000x128xf32, #tpu.memory_space<hbm>>
    tpu.enqueue_indirect_dma source(%dma_start3A_24 : memref<20000x128xf32, #tpu.memory_space<hbm>>) target(%arg9 : memref<256x128xf32, #tpu.memory_space<vmem>>) offsets(%dma_start3A_21 : memref<256xi32, #tpu.memory_space<vmem>>) semaphore(%arg11 : memref<!tpu.dma_semaphore, #tpu.memory_space<semaphore_mem>>)
    %scan3A_25 = arith.constant 0 : i32
    %scan3A_26 = arith.constant 0 : i32
    %scan3A_27 = arith.constant 19 : i32
    %scan3A_28 = arith.addi %scan3A_26, %scan3A_27 : i32
    %scan3A_29 = arith.constant 1 : i32
    scf.for %scan3A_110 = %scan3A_26 to %scan3A_28 step %scan3A_29  : i32 {
      %mul3A_111 = arith.constant 2 : i32
      %mul3A_112 = arith.muli %mul3A_111, %scan3A_110 : i32
      %add3A_113 = arith.constant 1 : i32
      %add3A_114 = arith.addi %mul3A_112, %add3A_113 : i32
      %mul3A_115 = arith.constant 256 : i32
      %mul3A_116 = arith.muli %add3A_114, %mul3A_115 : i32
      %dma_start3A_117 = tpu.memref_slice %arg7[%mul3A_116] : memref<10240xi32, #tpu.memory_space<vmem>> -> memref<256xi32, #tpu.memory_space<vmem>>
      %dma_start3A_118 = arith.constant 0 : i32
      %dma_start3A_119 = arith.constant 0 : i32
      %dma_start3A_120 = tpu.memref_slice %arg2[%dma_start3A_118, %dma_start3A_119] : memref<20000x128xf32, #tpu.memory_space<hbm>> -> memref<20000x128xf32, #tpu.memory_space<hbm>>
      tpu.enqueue_indirect_dma source(%dma_start3A_120 : memref<20000x128xf32, #tpu.memory_space<hbm>>) target(%arg10 : memref<256x128xf32, #tpu.memory_space<vmem>>) offsets(%dma_start3A_117 : memref<256xi32, #tpu.memory_space<vmem>>) semaphore(%arg12 : memref<!tpu.dma_semaphore, #tpu.memory_space<semaphore_mem>>)
      %mul3A_121 = arith.constant 2 : i32
      %mul3A_122 = arith.muli %mul3A_121, %scan3A_110 : i32
      %mul3A_123 = arith.constant 256 : i32
      %mul3A_124 = arith.muli %mul3A_122, %mul3A_123 : i32
      %dma_wait3A_125 = tpu.memref_slice %arg7[%mul3A_124] : memref<10240xi32, #tpu.memory_space<vmem>> -> memref<256xi32, #tpu.memory_space<vmem>>
      %dma_wait3A_126 = arith.constant 0 : i32
      %dma_wait3A_127 = arith.constant 0 : i32
      %dma_wait3A_128 = tpu.memref_slice %arg2[%dma_wait3A_126, %dma_wait3A_127] : memref<20000x128xf32, #tpu.memory_space<hbm>> -> memref<20000x128xf32, #tpu.memory_space<hbm>>
      tpu.wait_indirect_dma semaphore(%arg11 : memref<!tpu.dma_semaphore, #tpu.memory_space<semaphore_mem>>) src(%dma_wait3A_128 : memref<20000x128xf32, #tpu.memory_space<hbm>>) dst(%arg9 : memref<256x128xf32, #tpu.memory_space<vmem>>)
      %mul3A_129 = arith.constant 2 : i32
      %mul3A_130 = arith.muli %mul3A_129, %scan3A_110 : i32
      %mul3A_131 = arith.constant 256 : i32
      %mul3A_132 = arith.muli %mul3A_130, %mul3A_131 : i32
      "tpu.region"() ({
        %run_scoped3A = tpu.sem_alloc : memref<!tpu.dma_semaphore, #tpu.memory_space<semaphore_mem>>
        %dma_start3A_159 = tpu.memref_slice %arg8[%mul3A_132] : memref<10240xi32, #tpu.memory_space<vmem>> -> memref<256xi32, #tpu.memory_space<vmem>>
        %dma_start3A_160 = arith.constant 0 : i32
        %dma_start3A_161 = arith.constant 0 : i32
        %dma_start3A_162 = tpu.memref_slice %arg13[%dma_start3A_160, %dma_start3A_161] : memref<5120x128xf32, #tpu.memory_space<vmem_shared>> -> memref<5120x128xf32, #tpu.memory_space<vmem_shared>>
        tpu.enqueue_indirect_dma source(%arg9 : memref<256x128xf32, #tpu.memory_space<vmem>>) target(%dma_start3A_162 : memref<5120x128xf32, #tpu.memory_space<vmem_shared>>) offsets(%dma_start3A_159 : memref<256xi32, #tpu.memory_space<vmem>>) semaphore(%run_scoped3A : memref<!tpu.dma_semaphore, #tpu.memory_space<semaphore_mem>>) {add = true}
        %dma_wait3A_163 = tpu.memref_slice %arg8[%mul3A_132] : memref<10240xi32, #tpu.memory_space<vmem>> -> memref<256xi32, #tpu.memory_space<vmem>>
        %dma_wait3A_164 = arith.constant 0 : i32
        %dma_wait3A_165 = arith.constant 0 : i32
        %dma_wait3A_166 = tpu.memref_slice %arg13[%dma_wait3A_164, %dma_wait3A_165] : memref<5120x128xf32, #tpu.memory_space<vmem_shared>> -> memref<5120x128xf32, #tpu.memory_space<vmem_shared>>
        tpu.wait_indirect_dma semaphore(%run_scoped3A : memref<!tpu.dma_semaphore, #tpu.memory_space<semaphore_mem>>) src(%arg9 : memref<256x128xf32, #tpu.memory_space<vmem>>) dst(%dma_wait3A_166 : memref<5120x128xf32, #tpu.memory_space<vmem_shared>>)
        tpu.yield
      }) : () -> ()
      %mul3A_133 = arith.constant 2 : i32
      %mul3A_134 = arith.muli %mul3A_133, %scan3A_110 : i32
      %add3A_135 = arith.constant 2 : i32
      %add3A_136 = arith.addi %mul3A_134, %add3A_135 : i32
      %mul3A_137 = arith.constant 256 : i32
      %mul3A_138 = arith.muli %add3A_136, %mul3A_137 : i32
      %dma_start3A_139 = tpu.memref_slice %arg7[%mul3A_138] : memref<10240xi32, #tpu.memory_space<vmem>> -> memref<256xi32, #tpu.memory_space<vmem>>
      %dma_start3A_140 = arith.constant 0 : i32
      %dma_start3A_141 = arith.constant 0 : i32
      %dma_start3A_142 = tpu.memref_slice %arg2[%dma_start3A_140, %dma_start3A_141] : memref<20000x128xf32, #tpu.memory_space<hbm>> -> memref<20000x128xf32, #tpu.memory_space<hbm>>
      tpu.enqueue_indirect_dma source(%dma_start3A_142 : memref<20000x128xf32, #tpu.memory_space<hbm>>) target(%arg9 : memref<256x128xf32, #tpu.memory_space<vmem>>) offsets(%dma_start3A_139 : memref<256xi32, #tpu.memory_space<vmem>>) semaphore(%arg11 : memref<!tpu.dma_semaphore, #tpu.memory_space<semaphore_mem>>)
      %mul3A_143 = arith.constant 2 : i32
      %mul3A_144 = arith.muli %mul3A_143, %scan3A_110 : i32
      %add3A_145 = arith.constant 1 : i32
      %add3A_146 = arith.addi %mul3A_144, %add3A_145 : i32
      %mul3A_147 = arith.constant 256 : i32
      %mul3A_148 = arith.muli %add3A_146, %mul3A_147 : i32
      %dma_wait3A_149 = tpu.memref_slice %arg7[%mul3A_148] : memref<10240xi32, #tpu.memory_space<vmem>> -> memref<256xi32, #tpu.memory_space<vmem>>
      %dma_wait3A_150 = arith.constant 0 : i32
      %dma_wait3A_151 = arith.constant 0 : i32
      %dma_wait3A_152 = tpu.memref_slice %arg2[%dma_wait3A_150, %dma_wait3A_151] : memref<20000x128xf32, #tpu.memory_space<hbm>> -> memref<20000x128xf32, #tpu.memory_space<hbm>>
      tpu.wait_indirect_dma semaphore(%arg12 : memref<!tpu.dma_semaphore, #tpu.memory_space<semaphore_mem>>) src(%dma_wait3A_152 : memref<20000x128xf32, #tpu.memory_space<hbm>>) dst(%arg10 : memref<256x128xf32, #tpu.memory_space<vmem>>)
      %mul3A_153 = arith.constant 2 : i32
      %mul3A_154 = arith.muli %mul3A_153, %scan3A_110 : i32
      %add3A_155 = arith.constant 1 : i32
      %add3A_156 = arith.addi %mul3A_154, %add3A_155 : i32
      %mul3A_157 = arith.constant 256 : i32
      %mul3A_158 = arith.muli %add3A_156, %mul3A_157 : i32
      "tpu.region"() ({
        %run_scoped3A = tpu.sem_alloc : memref<!tpu.dma_semaphore, #tpu.memory_space<semaphore_mem>>
        %dma_start3A_159 = tpu.memref_slice %arg8[%mul3A_158] : memref<10240xi32, #tpu.memory_space<vmem>> -> memref<256xi32, #tpu.memory_space<vmem>>
        %dma_start3A_160 = arith.constant 0 : i32
        %dma_start3A_161 = arith.constant 0 : i32
        %dma_start3A_162 = tpu.memref_slice %arg13[%dma_start3A_160, %dma_start3A_161] : memref<5120x128xf32, #tpu.memory_space<vmem_shared>> -> memref<5120x128xf32, #tpu.memory_space<vmem_shared>>
        tpu.enqueue_indirect_dma source(%arg10 : memref<256x128xf32, #tpu.memory_space<vmem>>) target(%dma_start3A_162 : memref<5120x128xf32, #tpu.memory_space<vmem_shared>>) offsets(%dma_start3A_159 : memref<256xi32, #tpu.memory_space<vmem>>) semaphore(%run_scoped3A : memref<!tpu.dma_semaphore, #tpu.memory_space<semaphore_mem>>) {add = true}
        %dma_wait3A_163 = tpu.memref_slice %arg8[%mul3A_158] : memref<10240xi32, #tpu.memory_space<vmem>> -> memref<256xi32, #tpu.memory_space<vmem>>
        %dma_wait3A_164 = arith.constant 0 : i32
        %dma_wait3A_165 = arith.constant 0 : i32
        %dma_wait3A_166 = tpu.memref_slice %arg13[%dma_wait3A_164, %dma_wait3A_165] : memref<5120x128xf32, #tpu.memory_space<vmem_shared>> -> memref<5120x128xf32, #tpu.memory_space<vmem_shared>>
        tpu.wait_indirect_dma semaphore(%run_scoped3A : memref<!tpu.dma_semaphore, #tpu.memory_space<semaphore_mem>>) src(%arg10 : memref<256x128xf32, #tpu.memory_space<vmem>>) dst(%dma_wait3A_166 : memref<5120x128xf32, #tpu.memory_space<vmem_shared>>)
        tpu.yield
      }) : () -> ()
    }
    %scan3A_30 = arith.constant 19 : i32
    %dma_start3A_31 = arith.constant 9984 : i32
    %dma_start3A_32 = tpu.memref_slice %arg7[%dma_start3A_31] : memref<10240xi32, #tpu.memory_space<vmem>> -> memref<256xi32, #tpu.memory_space<vmem>>
    %dma_start3A_33 = arith.constant 0 : i32
    %dma_start3A_34 = arith.constant 0 : i32
    %dma_start3A_35 = tpu.memref_slice %arg2[%dma_start3A_33, %dma_start3A_34] : memref<20000x128xf32, #tpu.memory_space<hbm>> -> memref<20000x128xf32, #tpu.memory_space<hbm>>
    tpu.enqueue_indirect_dma source(%dma_start3A_35 : memref<20000x128xf32, #tpu.memory_space<hbm>>) target(%arg10 : memref<256x128xf32, #tpu.memory_space<vmem>>) offsets(%dma_start3A_32 : memref<256xi32, #tpu.memory_space<vmem>>) semaphore(%arg12 : memref<!tpu.dma_semaphore, #tpu.memory_space<semaphore_mem>>)
    %dma_wait3A = arith.constant 9728 : i32
    %dma_wait3A_36 = tpu.memref_slice %arg7[%dma_wait3A] : memref<10240xi32, #tpu.memory_space<vmem>> -> memref<256xi32, #tpu.memory_space<vmem>>
    %dma_wait3A_37 = arith.constant 0 : i32
    %dma_wait3A_38 = arith.constant 0 : i32
    %dma_wait3A_39 = tpu.memref_slice %arg2[%dma_wait3A_37, %dma_wait3A_38] : memref<20000x128xf32, #tpu.memory_space<hbm>> -> memref<20000x128xf32, #tpu.memory_space<hbm>>
    tpu.wait_indirect_dma semaphore(%arg11 : memref<!tpu.dma_semaphore, #tpu.memory_space<semaphore_mem>>) src(%dma_wait3A_39 : memref<20000x128xf32, #tpu.memory_space<hbm>>) dst(%arg9 : memref<256x128xf32, #tpu.memory_space<vmem>>)
    "tpu.region"() ({
      %run_scoped3A = tpu.sem_alloc : memref<!tpu.dma_semaphore, #tpu.memory_space<semaphore_mem>>
      %dma_start3A_110 = arith.constant 9728 : i32
      %dma_start3A_111 = tpu.memref_slice %arg8[%dma_start3A_110] : memref<10240xi32, #tpu.memory_space<vmem>> -> memref<256xi32, #tpu.memory_space<vmem>>
      %dma_start3A_112 = arith.constant 0 : i32
      %dma_start3A_113 = arith.constant 0 : i32
      %dma_start3A_114 = tpu.memref_slice %arg13[%dma_start3A_112, %dma_start3A_113] : memref<5120x128xf32, #tpu.memory_space<vmem_shared>> -> memref<5120x128xf32, #tpu.memory_space<vmem_shared>>
      tpu.enqueue_indirect_dma source(%arg9 : memref<256x128xf32, #tpu.memory_space<vmem>>) target(%dma_start3A_114 : memref<5120x128xf32, #tpu.memory_space<vmem_shared>>) offsets(%dma_start3A_111 : memref<256xi32, #tpu.memory_space<vmem>>) semaphore(%run_scoped3A : memref<!tpu.dma_semaphore, #tpu.memory_space<semaphore_mem>>) {add = true}
      %dma_wait3A_115 = arith.constant 9728 : i32
      %dma_wait3A_116 = tpu.memref_slice %arg8[%dma_wait3A_115] : memref<10240xi32, #tpu.memory_space<vmem>> -> memref<256xi32, #tpu.memory_space<vmem>>
      %dma_wait3A_117 = arith.constant 0 : i32
      %dma_wait3A_118 = arith.constant 0 : i32
      %dma_wait3A_119 = tpu.memref_slice %arg13[%dma_wait3A_117, %dma_wait3A_118] : memref<5120x128xf32, #tpu.memory_space<vmem_shared>> -> memref<5120x128xf32, #tpu.memory_space<vmem_shared>>
      tpu.wait_indirect_dma semaphore(%run_scoped3A : memref<!tpu.dma_semaphore, #tpu.memory_space<semaphore_mem>>) src(%arg9 : memref<256x128xf32, #tpu.memory_space<vmem>>) dst(%dma_wait3A_119 : memref<5120x128xf32, #tpu.memory_space<vmem_shared>>)
      tpu.yield
    }) : () -> ()
    %dma_wait3A_40 = arith.constant 9984 : i32
    %dma_wait3A_41 = tpu.memref_slice %arg7[%dma_wait3A_40] : memref<10240xi32, #tpu.memory_space<vmem>> -> memref<256xi32, #tpu.memory_space<vmem>>
    %dma_wait3A_42 = arith.constant 0 : i32
    %dma_wait3A_43 = arith.constant 0 : i32
    %dma_wait3A_44 = tpu.memref_slice %arg2[%dma_wait3A_42, %dma_wait3A_43] : memref<20000x128xf32, #tpu.memory_space<hbm>> -> memref<20000x128xf32, #tpu.memory_space<hbm>>
    tpu.wait_indirect_dma semaphore(%arg12 : memref<!tpu.dma_semaphore, #tpu.memory_space<semaphore_mem>>) src(%dma_wait3A_44 : memref<20000x128xf32, #tpu.memory_space<hbm>>) dst(%arg10 : memref<256x128xf32, #tpu.memory_space<vmem>>)
    "tpu.region"() ({
      %run_scoped3A = tpu.sem_alloc : memref<!tpu.dma_semaphore, #tpu.memory_space<semaphore_mem>>
      %dma_start3A_110 = arith.constant 9984 : i32
      %dma_start3A_111 = tpu.memref_slice %arg8[%dma_start3A_110] : memref<10240xi32, #tpu.memory_space<vmem>> -> memref<256xi32, #tpu.memory_space<vmem>>
      %dma_start3A_112 = arith.constant 0 : i32
      %dma_start3A_113 = arith.constant 0 : i32
      %dma_start3A_114 = tpu.memref_slice %arg13[%dma_start3A_112, %dma_start3A_113] : memref<5120x128xf32, #tpu.memory_space<vmem_shared>> -> memref<5120x128xf32, #tpu.memory_space<vmem_shared>>
      tpu.enqueue_indirect_dma source(%arg10 : memref<256x128xf32, #tpu.memory_space<vmem>>) target(%dma_start3A_114 : memref<5120x128xf32, #tpu.memory_space<vmem_shared>>) offsets(%dma_start3A_111 : memref<256xi32, #tpu.memory_space<vmem>>) semaphore(%run_scoped3A : memref<!tpu.dma_semaphore, #tpu.memory_space<semaphore_mem>>) {add = true}
      %dma_wait3A_115 = arith.constant 9984 : i32
      %dma_wait3A_116 = tpu.memref_slice %arg8[%dma_wait3A_115] : memref<10240xi32, #tpu.memory_space<vmem>> -> memref<256xi32, #tpu.memory_space<vmem>>
      %dma_wait3A_117 = arith.constant 0 : i32
      %dma_wait3A_118 = arith.constant 0 : i32
      %dma_wait3A_119 = tpu.memref_slice %arg13[%dma_wait3A_117, %dma_wait3A_118] : memref<5120x128xf32, #tpu.memory_space<vmem_shared>> -> memref<5120x128xf32, #tpu.memory_space<vmem_shared>>
      tpu.wait_indirect_dma semaphore(%run_scoped3A : memref<!tpu.dma_semaphore, #tpu.memory_space<semaphore_mem>>) src(%arg10 : memref<256x128xf32, #tpu.memory_space<vmem>>) dst(%dma_wait3A_119 : memref<5120x128xf32, #tpu.memory_space<vmem_shared>>)
      tpu.yield
    }) : () -> ()
    %barrier3A_45 = arith.constant 0 : index
    tpu.barrier barrier_id(%barrier3A_45)
    %add3A_46 = arith.constant 0 : i32
    %add3A_47 = arith.addi %mul3A_7, %add3A_46 : i32
    %lt3A = arith.constant 15 : i32
    %lt3A_48 = arith.cmpi slt, %arg1, %lt3A : i32
    %convert_element_type3A = arith.extui %lt3A_48 : i1 to i32
    %cond3A = arith.constant 0 : i32
    %cond3A_49 = arith.cmpi ne, %convert_element_type3A, %cond3A : i32
    scf.if %cond3A_49 {
      %mul3A_110 = arith.constant 312 : i32
      %mul3A_111 = arith.muli %arg1, %mul3A_110 : i32
      %add3A_112 = arith.constant 0 : i32
      %add3A_113 = arith.addi %add3A_112, %mul3A_111 : i32
      %mul3A_114 = arith.constant 312 : i32
      %mul3A_115 = arith.muli %arg1, %mul3A_114 : i32
      %add3A_116 = arith.addi %add3A_47, %mul3A_115 : i32
      "tpu.region"() ({
        %run_scoped3A = tpu.sem_alloc : memref<!tpu.dma_semaphore, #tpu.memory_space<semaphore_mem>>
        %dma_start3A_117 = arith.constant 0 : i32
        %dma_start3A_118 = tpu.memref_slice %arg6[%add3A_116, %dma_start3A_117] : memref<20000x128xf32, #tpu.memory_space<hbm>> -> memref<312x128xf32, #tpu.memory_space<hbm>>
        %dma_start3A_119 = arith.constant 0 : i32
        %dma_start3A_120 = tpu.memref_slice %arg13[%add3A_113, %dma_start3A_119] : memref<5120x128xf32, #tpu.memory_space<vmem_shared>> -> memref<312x128xf32, #tpu.memory_space<vmem_shared>>
        tpu.enqueue_dma source(%dma_start3A_120 : memref<312x128xf32, #tpu.memory_space<vmem_shared>>) target(%dma_start3A_118 : memref<312x128xf32, #tpu.memory_space<hbm>>) target_semaphore(%run_scoped3A : memref<!tpu.dma_semaphore, #tpu.memory_space<semaphore_mem>>)
        %dma_wait3A_121 = arith.constant 0 : i32
        %dma_wait3A_122 = tpu.memref_slice %arg6[%add3A_116, %dma_wait3A_121] : memref<20000x128xf32, #tpu.memory_space<hbm>> -> memref<312x128xf32, #tpu.memory_space<hbm>>
        %dma_wait3A_123 = arith.constant 0 : i32
        %dma_wait3A_124 = tpu.memref_slice %arg13[%add3A_113, %dma_wait3A_123] : memref<5120x128xf32, #tpu.memory_space<vmem_shared>> -> memref<312x128xf32, #tpu.memory_space<vmem_shared>>
        tpu.wait_dma2 semaphore(%run_scoped3A : memref<!tpu.dma_semaphore, #tpu.memory_space<semaphore_mem>>) src(%dma_wait3A_124 : memref<312x128xf32, #tpu.memory_space<vmem_shared>>) dst(%dma_wait3A_122 : memref<312x128xf32, #tpu.memory_space<hbm>>)
        tpu.yield
      }) : () -> ()
    } else {
    }
    %eq3A = arith.constant 15 : i32
    %eq3A_50 = arith.cmpi eq, %arg1, %eq3A : i32
    %convert_element_type3A_51 = arith.extui %eq3A_50 : i1 to i32
    %cond3A_52 = arith.constant 0 : i32
    %cond3A_53 = arith.cmpi ne, %convert_element_type3A_51, %cond3A_52 : i32
    scf.if %cond3A_53 {
      %add3A_110 = arith.constant 4680 : i32
      %add3A_111 = arith.addi %add3A_47, %add3A_110 : i32
      "tpu.region"() ({
        %run_scoped3A = tpu.sem_alloc : memref<!tpu.dma_semaphore, #tpu.memory_space<semaphore_mem>>
        %dma_start3A_112 = arith.constant 0 : i32
        %dma_start3A_113 = tpu.memref_slice %arg6[%add3A_111, %dma_start3A_112] : memref<20000x128xf32, #tpu.memory_space<hbm>> -> memref<320x128xf32, #tpu.memory_space<hbm>>
        %dma_start3A_114 = arith.constant 4680 : i32
        %dma_start3A_115 = arith.constant 0 : i32
        %dma_start3A_116 = tpu.memref_slice %arg13[%dma_start3A_114, %dma_start3A_115] : memref<5120x128xf32, #tpu.memory_space<vmem_shared>> -> memref<320x128xf32, #tpu.memory_space<vmem_shared>>
        tpu.enqueue_dma source(%dma_start3A_116 : memref<320x128xf32, #tpu.memory_space<vmem_shared>>) target(%dma_start3A_113 : memref<320x128xf32, #tpu.memory_space<hbm>>) target_semaphore(%run_scoped3A : memref<!tpu.dma_semaphore, #tpu.memory_space<semaphore_mem>>)
        %dma_wait3A_117 = arith.constant 0 : i32
        %dma_wait3A_118 = tpu.memref_slice %arg6[%add3A_111, %dma_wait3A_117] : memref<20000x128xf32, #tpu.memory_space<hbm>> -> memref<320x128xf32, #tpu.memory_space<hbm>>
        %dma_wait3A_119 = arith.constant 4680 : i32
        %dma_wait3A_120 = arith.constant 0 : i32
        %dma_wait3A_121 = tpu.memref_slice %arg13[%dma_wait3A_119, %dma_wait3A_120] : memref<5120x128xf32, #tpu.memory_space<vmem_shared>> -> memref<320x128xf32, #tpu.memory_space<vmem_shared>>
        tpu.wait_dma2 semaphore(%run_scoped3A : memref<!tpu.dma_semaphore, #tpu.memory_space<semaphore_mem>>) src(%dma_wait3A_121 : memref<320x128xf32, #tpu.memory_space<vmem_shared>>) dst(%dma_wait3A_118 : memref<320x128xf32, #tpu.memory_space<hbm>>)
        tpu.yield
      }) : () -> ()
    } else {
    }
    %barrier3A_54 = arith.constant 0 : index
    tpu.barrier barrier_id(%barrier3A_54)
    "tpu.region"() ({
      %run_scoped3A = tpu.sem_alloc : memref<!tpu.dma_semaphore, #tpu.memory_space<semaphore_mem>>
      %dma_start3A_110 = arith.constant 0 : i32
      %dma_start3A_111 = tpu.memref_slice %arg5[%arg1, %dma_start3A_110] : memref<16x10240xi32, #tpu.memory_space<hbm>> -> memref<1x10240xi32, #tpu.memory_space<hbm>>
      %dma_start3A_112 = tpu.memref_squeeze %dma_start3A_111 : memref<1x10240xi32, #tpu.memory_space<hbm>> -> memref<10240xi32, #tpu.memory_space<hbm>>
      %dma_start3A_113 = arith.constant 0 : i32
      %dma_start3A_114 = tpu.memref_slice %arg5[%arg1, %dma_start3A_113] : memref<16x10240xi32, #tpu.memory_space<hbm>> -> memref<1x10240xi32, #tpu.memory_space<hbm>>
      %dma_start3A_115 = tpu.memref_squeeze %dma_start3A_114 : memref<1x10240xi32, #tpu.memory_space<hbm>> -> memref<10240xi32, #tpu.memory_space<hbm>>
      tpu.enqueue_dma source(%dma_start3A_115 : memref<10240xi32, #tpu.memory_space<hbm>>) target(%arg8 : memref<10240xi32, #tpu.memory_space<vmem>>) target_semaphore(%run_scoped3A : memref<!tpu.dma_semaphore, #tpu.memory_space<semaphore_mem>>)
      %dma_wait3A_116 = arith.constant 0 : i32
      %dma_wait3A_117 = tpu.memref_slice %arg5[%arg1, %dma_wait3A_116] : memref<16x10240xi32, #tpu.memory_space<hbm>> -> memref<1x10240xi32, #tpu.memory_space<hbm>>
      %dma_wait3A_118 = tpu.memref_squeeze %dma_wait3A_117 : memref<1x10240xi32, #tpu.memory_space<hbm>> -> memref<10240xi32, #tpu.memory_space<hbm>>
      %dma_wait3A_119 = arith.constant 0 : i32
      %dma_wait3A_120 = tpu.memref_slice %arg5[%arg1, %dma_wait3A_119] : memref<16x10240xi32, #tpu.memory_space<hbm>> -> memref<1x10240xi32, #tpu.memory_space<hbm>>
      %dma_wait3A_121 = tpu.memref_squeeze %dma_wait3A_120 : memref<1x10240xi32, #tpu.memory_space<hbm>> -> memref<10240xi32, #tpu.memory_space<hbm>>
      tpu.wait_dma2 semaphore(%run_scoped3A : memref<!tpu.dma_semaphore, #tpu.memory_space<semaphore_mem>>) src(%dma_wait3A_121 : memref<10240xi32, #tpu.memory_space<hbm>>) dst(%arg8 : memref<10240xi32, #tpu.memory_space<vmem>>)
      tpu.yield
    }) : () -> ()
    %scan3A_55 = arith.constant 0 : i32
    %scan3A_56 = arith.constant 0 : i32
    %scan3A_57 = arith.constant 256 : i32
    %scan3A_58 = arith.addi %scan3A_56, %scan3A_57 : i32
    %scan3A_59 = arith.constant 1 : i32
    scf.for %scan3A_110 = %scan3A_56 to %scan3A_58 step %scan3A_59  : i32 {
      %broadcast_in_dim3A = arith.constant 0.000000e+00 : f32
      %broadcast_in_dim3A_111 = vector.broadcast %broadcast_in_dim3A : f32 to vector<16xf32>
      %swap3A = arith.index_cast %scan3A_110 : i32 to index
      %swap3A_112 = arith.constant 0 : index
      %swap3A_113 = tpu.vector_load %arg10[%swap3A, %swap3A_112] {strides = array<i32>} : memref<256x128xf32, #tpu.memory_space<vmem>>, vector<1x16xf32>,
      %swap3A_114 = vector.shape_cast %swap3A_113 : vector<1x16xf32> to vector<16xf32>
      %swap3A_115 = vector.shape_cast %broadcast_in_dim3A_111 : vector<16xf32> to vector<1x16xf32>
      tpu.vector_store %arg10[%swap3A, %swap3A_112], %swap3A_115 {strides = array<i32>} : memref<256x128xf32, #tpu.memory_space<vmem>>, vector<1x16xf32>,
      %broadcast_in_dim3A_116 = arith.constant 0.000000e+00 : f32
      %broadcast_in_dim3A_117 = vector.broadcast %broadcast_in_dim3A_116 : f32 to vector<16xf32>
      %swap3A_118 = arith.index_cast %scan3A_110 : i32 to index
      %swap3A_119 = arith.constant 16 : index
      %swap3A_120 = tpu.vector_load %arg10[%swap3A_118, %swap3A_119] {strides = array<i32>} : memref<256x128xf32, #tpu.memory_space<vmem>>, vector<1x16xf32>,
      %swap3A_121 = vector.shape_cast %swap3A_120 : vector<1x16xf32> to vector<16xf32>
      %swap3A_122 = vector.shape_cast %broadcast_in_dim3A_117 : vector<16xf32> to vector<1x16xf32>
      tpu.vector_store %arg10[%swap3A_118, %swap3A_119], %swap3A_122 {strides = array<i32>} : memref<256x128xf32, #tpu.memory_space<vmem>>, vector<1x16xf32>,
      %broadcast_in_dim3A_123 = arith.constant 0.000000e+00 : f32
      %broadcast_in_dim3A_124 = vector.broadcast %broadcast_in_dim3A_123 : f32 to vector<16xf32>
      %swap3A_125 = arith.index_cast %scan3A_110 : i32 to index
      %swap3A_126 = arith.constant 32 : index
      %swap3A_127 = tpu.vector_load %arg10[%swap3A_125, %swap3A_126] {strides = array<i32>} : memref<256x128xf32, #tpu.memory_space<vmem>>, vector<1x16xf32>,
      %swap3A_128 = vector.shape_cast %swap3A_127 : vector<1x16xf32> to vector<16xf32>
      %swap3A_129 = vector.shape_cast %broadcast_in_dim3A_124 : vector<16xf32> to vector<1x16xf32>
      tpu.vector_store %arg10[%swap3A_125, %swap3A_126], %swap3A_129 {strides = array<i32>} : memref<256x128xf32, #tpu.memory_space<vmem>>, vector<1x16xf32>,
      %broadcast_in_dim3A_130 = arith.constant 0.000000e+00 : f32
      %broadcast_in_dim3A_131 = vector.broadcast %broadcast_in_dim3A_130 : f32 to vector<16xf32>
      %swap3A_132 = arith.index_cast %scan3A_110 : i32 to index
      %swap3A_133 = arith.constant 48 : index
      %swap3A_134 = tpu.vector_load %arg10[%swap3A_132, %swap3A_133] {strides = array<i32>} : memref<256x128xf32, #tpu.memory_space<vmem>>, vector<1x16xf32>,
      %swap3A_135 = vector.shape_cast %swap3A_134 : vector<1x16xf32> to vector<16xf32>
      %swap3A_136 = vector.shape_cast %broadcast_in_dim3A_131 : vector<16xf32> to vector<1x16xf32>
      tpu.vector_store %arg10[%swap3A_132, %swap3A_133], %swap3A_136 {strides = array<i32>} : memref<256x128xf32, #tpu.memory_space<vmem>>, vector<1x16xf32>,
      %broadcast_in_dim3A_137 = arith.constant 0.000000e+00 : f32
      %broadcast_in_dim3A_138 = vector.broadcast %broadcast_in_dim3A_137 : f32 to vector<16xf32>
      %swap3A_139 = arith.index_cast %scan3A_110 : i32 to index
      %swap3A_140 = arith.constant 64 : index
      %swap3A_141 = tpu.vector_load %arg10[%swap3A_139, %swap3A_140] {strides = array<i32>} : memref<256x128xf32, #tpu.memory_space<vmem>>, vector<1x16xf32>,
      %swap3A_142 = vector.shape_cast %swap3A_141 : vector<1x16xf32> to vector<16xf32>
      %swap3A_143 = vector.shape_cast %broadcast_in_dim3A_138 : vector<16xf32> to vector<1x16xf32>
      tpu.vector_store %arg10[%swap3A_139, %swap3A_140], %swap3A_143 {strides = array<i32>} : memref<256x128xf32, #tpu.memory_space<vmem>>, vector<1x16xf32>,
      %broadcast_in_dim3A_144 = arith.constant 0.000000e+00 : f32
      %broadcast_in_dim3A_145 = vector.broadcast %broadcast_in_dim3A_144 : f32 to vector<16xf32>
      %swap3A_146 = arith.index_cast %scan3A_110 : i32 to index
      %swap3A_147 = arith.constant 80 : index
      %swap3A_148 = tpu.vector_load %arg10[%swap3A_146, %swap3A_147] {strides = array<i32>} : memref<256x128xf32, #tpu.memory_space<vmem>>, vector<1x16xf32>,
      %swap3A_149 = vector.shape_cast %swap3A_148 : vector<1x16xf32> to vector<16xf32>
      %swap3A_150 = vector.shape_cast %broadcast_in_dim3A_145 : vector<16xf32> to vector<1x16xf32>
      tpu.vector_store %arg10[%swap3A_146, %swap3A_147], %swap3A_150 {strides = array<i32>} : memref<256x128xf32, #tpu.memory_space<vmem>>, vector<1x16xf32>,
      %broadcast_in_dim3A_151 = arith.constant 0.000000e+00 : f32
      %broadcast_in_dim3A_152 = vector.broadcast %broadcast_in_dim3A_151 : f32 to vector<16xf32>
      %swap3A_153 = arith.index_cast %scan3A_110 : i32 to index
      %swap3A_154 = arith.constant 96 : index
      %swap3A_155 = tpu.vector_load %arg10[%swap3A_153, %swap3A_154] {strides = array<i32>} : memref<256x128xf32, #tpu.memory_space<vmem>>, vector<1x16xf32>,
      %swap3A_156 = vector.shape_cast %swap3A_155 : vector<1x16xf32> to vector<16xf32>
      %swap3A_157 = vector.shape_cast %broadcast_in_dim3A_152 : vector<16xf32> to vector<1x16xf32>
      tpu.vector_store %arg10[%swap3A_153, %swap3A_154], %swap3A_157 {strides = array<i32>} : memref<256x128xf32, #tpu.memory_space<vmem>>, vector<1x16xf32>,
      %broadcast_in_dim3A_158 = arith.constant 0.000000e+00 : f32
      %broadcast_in_dim3A_159 = vector.broadcast %broadcast_in_dim3A_158 : f32 to vector<16xf32>
      %swap3A_160 = arith.index_cast %scan3A_110 : i32 to index
      %swap3A_161 = arith.constant 112 : index
      %swap3A_162 = tpu.vector_load %arg10[%swap3A_160, %swap3A_161] {strides = array<i32>} : memref<256x128xf32, #tpu.memory_space<vmem>>, vector<1x16xf32>,
      %swap3A_163 = vector.shape_cast %swap3A_162 : vector<1x16xf32> to vector<16xf32>
      %swap3A_164 = vector.shape_cast %broadcast_in_dim3A_159 : vector<16xf32> to vector<1x16xf32>
      tpu.vector_store %arg10[%swap3A_160, %swap3A_161], %swap3A_164 {strides = array<i32>} : memref<256x128xf32, #tpu.memory_space<vmem>>, vector<1x16xf32>,
    }
    %scan3A_60 = arith.constant 256 : i32
    %mul3A_61 = arith.constant 320 : i32
    %mul3A_62 = arith.muli %arg1, %mul3A_61 : i32
    %add3A_63 = arith.constant 0 : i32
    %add3A_64 = arith.addi %mul3A_62, %add3A_63 : i32
    "tpu.region"() ({
      %run_scoped3A = tpu.sem_alloc : memref<!tpu.dma_semaphore, #tpu.memory_space<semaphore_mem>>
      %dma_start3A_110 = arith.constant 0 : i32
      %dma_start3A_111 = arith.constant 0 : i32
      %dma_start3A_112 = tpu.memref_slice %arg10[%dma_start3A_110, %dma_start3A_111] : memref<256x128xf32, #tpu.memory_space<vmem>> -> memref<256x128xf32, #tpu.memory_space<vmem>>
      %dma_start3A_113 = arith.constant 0 : i32
      %dma_start3A_114 = tpu.memref_slice %arg13[%add3A_64, %dma_start3A_113] : memref<5120x128xf32, #tpu.memory_space<vmem_shared>> -> memref<256x128xf32, #tpu.memory_space<vmem_shared>>
      %dma_start3A_115 = arith.constant 0 : i32
      %dma_start3A_116 = tpu.memref_slice %arg13[%add3A_64, %dma_start3A_115] : memref<5120x128xf32, #tpu.memory_space<vmem_shared>> -> memref<256x128xf32, #tpu.memory_space<vmem_shared>>
      %dma_start3A_117 = arith.constant 0 : i32
      %dma_start3A_118 = arith.constant 0 : i32
      %dma_start3A_119 = tpu.memref_slice %arg10[%dma_start3A_117, %dma_start3A_118] : memref<256x128xf32, #tpu.memory_space<vmem>> -> memref<256x128xf32, #tpu.memory_space<vmem>>
      tpu.enqueue_dma source(%dma_start3A_119 : memref<256x128xf32, #tpu.memory_space<vmem>>) target(%dma_start3A_116 : memref<256x128xf32, #tpu.memory_space<vmem_shared>>) target_semaphore(%run_scoped3A : memref<!tpu.dma_semaphore, #tpu.memory_space<semaphore_mem>>)
      %dma_wait3A_120 = arith.constant 0 : i32
      %dma_wait3A_121 = arith.constant 0 : i32
      %dma_wait3A_122 = tpu.memref_slice %arg10[%dma_wait3A_120, %dma_wait3A_121] : memref<256x128xf32, #tpu.memory_space<vmem>> -> memref<256x128xf32, #tpu.memory_space<vmem>>
      %dma_wait3A_123 = arith.constant 0 : i32
      %dma_wait3A_124 = tpu.memref_slice %arg13[%add3A_64, %dma_wait3A_123] : memref<5120x128xf32, #tpu.memory_space<vmem_shared>> -> memref<256x128xf32, #tpu.memory_space<vmem_shared>>
      %dma_wait3A_125 = arith.constant 0 : i32
      %dma_wait3A_126 = tpu.memref_slice %arg13[%add3A_64, %dma_wait3A_125] : memref<5120x128xf32, #tpu.memory_space<vmem_shared>> -> memref<256x128xf32, #tpu.memory_space<vmem_shared>>
      %dma_wait3A_127 = arith.constant 0 : i32
      %dma_wait3A_128 = arith.constant 0 : i32
      %dma_wait3A_129 = tpu.memref_slice %arg10[%dma_wait3A_127, %dma_wait3A_128] : memref<256x128xf32, #tpu.memory_space<vmem>> -> memref<256x128xf32, #tpu.memory_space<vmem>>
      tpu.wait_dma2 semaphore(%run_scoped3A : memref<!tpu.dma_semaphore, #tpu.memory_space<semaphore_mem>>) src(%dma_wait3A_129 : memref<256x128xf32, #tpu.memory_space<vmem>>) dst(%dma_wait3A_126 : memref<256x128xf32, #tpu.memory_space<vmem_shared>>)
      tpu.yield
    }) : () -> ()
    %mul3A_65 = arith.constant 320 : i32
    %mul3A_66 = arith.muli %arg1, %mul3A_65 : i32
    %add3A_67 = arith.constant 256 : i32
    %add3A_68 = arith.addi %mul3A_66, %add3A_67 : i32
    "tpu.region"() ({
      %run_scoped3A = tpu.sem_alloc : memref<!tpu.dma_semaphore, #tpu.memory_space<semaphore_mem>>
      %dma_start3A_110 = arith.constant 0 : i32
      %dma_start3A_111 = arith.constant 0 : i32
      %dma_start3A_112 = tpu.memref_slice %arg10[%dma_start3A_110, %dma_start3A_111] : memref<256x128xf32, #tpu.memory_space<vmem>> -> memref<64x128xf32, #tpu.memory_space<vmem>>
      %dma_start3A_113 = arith.constant 0 : i32
      %dma_start3A_114 = tpu.memref_slice %arg13[%add3A_68, %dma_start3A_113] : memref<5120x128xf32, #tpu.memory_space<vmem_shared>> -> memref<64x128xf32, #tpu.memory_space<vmem_shared>>
      %dma_start3A_115 = arith.constant 0 : i32
      %dma_start3A_116 = tpu.memref_slice %arg13[%add3A_68, %dma_start3A_115] : memref<5120x128xf32, #tpu.memory_space<vmem_shared>> -> memref<64x128xf32, #tpu.memory_space<vmem_shared>>
      %dma_start3A_117 = arith.constant 0 : i32
      %dma_start3A_118 = arith.constant 0 : i32
      %dma_start3A_119 = tpu.memref_slice %arg10[%dma_start3A_117, %dma_start3A_118] : memref<256x128xf32, #tpu.memory_space<vmem>> -> memref<64x128xf32, #tpu.memory_space<vmem>>
      tpu.enqueue_dma source(%dma_start3A_119 : memref<64x128xf32, #tpu.memory_space<vmem>>) target(%dma_start3A_116 : memref<64x128xf32, #tpu.memory_space<vmem_shared>>) target_semaphore(%run_scoped3A : memref<!tpu.dma_semaphore, #tpu.memory_space<semaphore_mem>>)
      %dma_wait3A_120 = arith.constant 0 : i32
      %dma_wait3A_121 = arith.constant 0 : i32
      %dma_wait3A_122 = tpu.memref_slice %arg10[%dma_wait3A_120, %dma_wait3A_121] : memref<256x128xf32, #tpu.memory_space<vmem>> -> memref<64x128xf32, #tpu.memory_space<vmem>>
      %dma_wait3A_123 = arith.constant 0 : i32
      %dma_wait3A_124 = tpu.memref_slice %arg13[%add3A_68, %dma_wait3A_123] : memref<5120x128xf32, #tpu.memory_space<vmem_shared>> -> memref<64x128xf32, #tpu.memory_space<vmem_shared>>
      %dma_wait3A_125 = arith.constant 0 : i32
      %dma_wait3A_126 = tpu.memref_slice %arg13[%add3A_68, %dma_wait3A_125] : memref<5120x128xf32, #tpu.memory_space<vmem_shared>> -> memref<64x128xf32, #tpu.memory_space<vmem_shared>>
      %dma_wait3A_127 = arith.constant 0 : i32
      %dma_wait3A_128 = arith.constant 0 : i32
      %dma_wait3A_129 = tpu.memref_slice %arg10[%dma_wait3A_127, %dma_wait3A_128] : memref<256x128xf32, #tpu.memory_space<vmem>> -> memref<64x128xf32, #tpu.memory_space<vmem>>
      tpu.wait_dma2 semaphore(%run_scoped3A : memref<!tpu.dma_semaphore, #tpu.memory_space<semaphore_mem>>) src(%dma_wait3A_129 : memref<64x128xf32, #tpu.memory_space<vmem>>) dst(%dma_wait3A_126 : memref<64x128xf32, #tpu.memory_space<vmem_shared>>)
      tpu.yield
    }) : () -> ()
    %barrier3A_69 = arith.constant 0 : index
    tpu.barrier barrier_id(%barrier3A_69)
    %dma_start3A_70 = arith.constant 0 : i32
    %dma_start3A_71 = tpu.memref_slice %arg7[%dma_start3A_70] : memref<10240xi32, #tpu.memory_space<vmem>> -> memref<256xi32, #tpu.memory_space<vmem>>
    %dma_start3A_72 = arith.constant 0 : i32
    %dma_start3A_73 = arith.constant 0 : i32
    %dma_start3A_74 = tpu.memref_slice %arg2[%dma_start3A_72, %dma_start3A_73] : memref<20000x128xf32, #tpu.memory_space<hbm>> -> memref<20000x128xf32, #tpu.memory_space<hbm>>
    tpu.enqueue_indirect_dma source(%dma_start3A_74 : memref<20000x128xf32, #tpu.memory_space<hbm>>) target(%arg9 : memref<256x128xf32, #tpu.memory_space<vmem>>) offsets(%dma_start3A_71 : memref<256xi32, #tpu.memory_space<vmem>>) semaphore(%arg11 : memref<!tpu.dma_semaphore, #tpu.memory_space<semaphore_mem>>)
    %scan3A_75 = arith.constant 0 : i32
    %scan3A_76 = arith.constant 0 : i32
    %scan3A_77 = arith.constant 19 : i32
    %scan3A_78 = arith.addi %scan3A_76, %scan3A_77 : i32
    %scan3A_79 = arith.constant 1 : i32
    scf.for %scan3A_110 = %scan3A_76 to %scan3A_78 step %scan3A_79  : i32 {
      %mul3A_111 = arith.constant 2 : i32
      %mul3A_112 = arith.muli %mul3A_111, %scan3A_110 : i32
      %add3A_113 = arith.constant 1 : i32
      %add3A_114 = arith.addi %mul3A_112, %add3A_113 : i32
      %mul3A_115 = arith.constant 256 : i32
      %mul3A_116 = arith.muli %add3A_114, %mul3A_115 : i32
      %dma_start3A_117 = tpu.memref_slice %arg7[%mul3A_116] : memref<10240xi32, #tpu.memory_space<vmem>> -> memref<256xi32, #tpu.memory_space<vmem>>
      %dma_start3A_118 = arith.constant 0 : i32
      %dma_start3A_119 = arith.constant 0 : i32
      %dma_start3A_120 = tpu.memref_slice %arg2[%dma_start3A_118, %dma_start3A_119] : memref<20000x128xf32, #tpu.memory_space<hbm>> -> memref<20000x128xf32, #tpu.memory_space<hbm>>
      tpu.enqueue_indirect_dma source(%dma_start3A_120 : memref<20000x128xf32, #tpu.memory_space<hbm>>) target(%arg10 : memref<256x128xf32, #tpu.memory_space<vmem>>) offsets(%dma_start3A_117 : memref<256xi32, #tpu.memory_space<vmem>>) semaphore(%arg12 : memref<!tpu.dma_semaphore, #tpu.memory_space<semaphore_mem>>)
      %mul3A_121 = arith.constant 2 : i32
      %mul3A_122 = arith.muli %mul3A_121, %scan3A_110 : i32
      %mul3A_123 = arith.constant 256 : i32
      %mul3A_124 = arith.muli %mul3A_122, %mul3A_123 : i32
      %dma_wait3A_125 = tpu.memref_slice %arg7[%mul3A_124] : memref<10240xi32, #tpu.memory_space<vmem>> -> memref<256xi32, #tpu.memory_space<vmem>>
      %dma_wait3A_126 = arith.constant 0 : i32
      %dma_wait3A_127 = arith.constant 0 : i32
      %dma_wait3A_128 = tpu.memref_slice %arg2[%dma_wait3A_126, %dma_wait3A_127] : memref<20000x128xf32, #tpu.memory_space<hbm>> -> memref<20000x128xf32, #tpu.memory_space<hbm>>
      tpu.wait_indirect_dma semaphore(%arg11 : memref<!tpu.dma_semaphore, #tpu.memory_space<semaphore_mem>>) src(%dma_wait3A_128 : memref<20000x128xf32, #tpu.memory_space<hbm>>) dst(%arg9 : memref<256x128xf32, #tpu.memory_space<vmem>>)
      %mul3A_129 = arith.constant 2 : i32
      %mul3A_130 = arith.muli %mul3A_129, %scan3A_110 : i32
      %mul3A_131 = arith.constant 256 : i32
      %mul3A_132 = arith.muli %mul3A_130, %mul3A_131 : i32
      "tpu.region"() ({
        %run_scoped3A = tpu.sem_alloc : memref<!tpu.dma_semaphore, #tpu.memory_space<semaphore_mem>>
        %dma_start3A_159 = tpu.memref_slice %arg8[%mul3A_132] : memref<10240xi32, #tpu.memory_space<vmem>> -> memref<256xi32, #tpu.memory_space<vmem>>
        %dma_start3A_160 = arith.constant 0 : i32
        %dma_start3A_161 = arith.constant 0 : i32
        %dma_start3A_162 = tpu.memref_slice %arg13[%dma_start3A_160, %dma_start3A_161] : memref<5120x128xf32, #tpu.memory_space<vmem_shared>> -> memref<5120x128xf32, #tpu.memory_space<vmem_shared>>
        tpu.enqueue_indirect_dma source(%arg9 : memref<256x128xf32, #tpu.memory_space<vmem>>) target(%dma_start3A_162 : memref<5120x128xf32, #tpu.memory_space<vmem_shared>>) offsets(%dma_start3A_159 : memref<256xi32, #tpu.memory_space<vmem>>) semaphore(%run_scoped3A : memref<!tpu.dma_semaphore, #tpu.memory_space<semaphore_mem>>) {add = true}
        %dma_wait3A_163 = tpu.memref_slice %arg8[%mul3A_132] : memref<10240xi32, #tpu.memory_space<vmem>> -> memref<256xi32, #tpu.memory_space<vmem>>
        %dma_wait3A_164 = arith.constant 0 : i32
        %dma_wait3A_165 = arith.constant 0 : i32
        %dma_wait3A_166 = tpu.memref_slice %arg13[%dma_wait3A_164, %dma_wait3A_165] : memref<5120x128xf32, #tpu.memory_space<vmem_shared>> -> memref<5120x128xf32, #tpu.memory_space<vmem_shared>>
        tpu.wait_indirect_dma semaphore(%run_scoped3A : memref<!tpu.dma_semaphore, #tpu.memory_space<semaphore_mem>>) src(%arg9 : memref<256x128xf32, #tpu.memory_space<vmem>>) dst(%dma_wait3A_166 : memref<5120x128xf32, #tpu.memory_space<vmem_shared>>)
        tpu.yield
      }) : () -> ()
      %mul3A_133 = arith.constant 2 : i32
      %mul3A_134 = arith.muli %mul3A_133, %scan3A_110 : i32
      %add3A_135 = arith.constant 2 : i32
      %add3A_136 = arith.addi %mul3A_134, %add3A_135 : i32
      %mul3A_137 = arith.constant 256 : i32
      %mul3A_138 = arith.muli %add3A_136, %mul3A_137 : i32
      %dma_start3A_139 = tpu.memref_slice %arg7[%mul3A_138] : memref<10240xi32, #tpu.memory_space<vmem>> -> memref<256xi32, #tpu.memory_space<vmem>>
      %dma_start3A_140 = arith.constant 0 : i32
      %dma_start3A_141 = arith.constant 0 : i32
      %dma_start3A_142 = tpu.memref_slice %arg2[%dma_start3A_140, %dma_start3A_141] : memref<20000x128xf32, #tpu.memory_space<hbm>> -> memref<20000x128xf32, #tpu.memory_space<hbm>>
      tpu.enqueue_indirect_dma source(%dma_start3A_142 : memref<20000x128xf32, #tpu.memory_space<hbm>>) target(%arg9 : memref<256x128xf32, #tpu.memory_space<vmem>>) offsets(%dma_start3A_139 : memref<256xi32, #tpu.memory_space<vmem>>) semaphore(%arg11 : memref<!tpu.dma_semaphore, #tpu.memory_space<semaphore_mem>>)
      %mul3A_143 = arith.constant 2 : i32
      %mul3A_144 = arith.muli %mul3A_143, %scan3A_110 : i32
      %add3A_145 = arith.constant 1 : i32
      %add3A_146 = arith.addi %mul3A_144, %add3A_145 : i32
      %mul3A_147 = arith.constant 256 : i32
      %mul3A_148 = arith.muli %add3A_146, %mul3A_147 : i32
      %dma_wait3A_149 = tpu.memref_slice %arg7[%mul3A_148] : memref<10240xi32, #tpu.memory_space<vmem>> -> memref<256xi32, #tpu.memory_space<vmem>>
      %dma_wait3A_150 = arith.constant 0 : i32
      %dma_wait3A_151 = arith.constant 0 : i32
      %dma_wait3A_152 = tpu.memref_slice %arg2[%dma_wait3A_150, %dma_wait3A_151] : memref<20000x128xf32, #tpu.memory_space<hbm>> -> memref<20000x128xf32, #tpu.memory_space<hbm>>
      tpu.wait_indirect_dma semaphore(%arg12 : memref<!tpu.dma_semaphore, #tpu.memory_space<semaphore_mem>>) src(%dma_wait3A_152 : memref<20000x128xf32, #tpu.memory_space<hbm>>) dst(%arg10 : memref<256x128xf32, #tpu.memory_space<vmem>>)
      %mul3A_153 = arith.constant 2 : i32
      %mul3A_154 = arith.muli %mul3A_153, %scan3A_110 : i32
      %add3A_155 = arith.constant 1 : i32
      %add3A_156 = arith.addi %mul3A_154, %add3A_155 : i32
      %mul3A_157 = arith.constant 256 : i32
      %mul3A_158 = arith.muli %add3A_156, %mul3A_157 : i32
      "tpu.region"() ({
        %run_scoped3A = tpu.sem_alloc : memref<!tpu.dma_semaphore, #tpu.memory_space<semaphore_mem>>
        %dma_start3A_159 = tpu.memref_slice %arg8[%mul3A_158] : memref<10240xi32, #tpu.memory_space<vmem>> -> memref<256xi32, #tpu.memory_space<vmem>>
        %dma_start3A_160 = arith.constant 0 : i32
        %dma_start3A_161 = arith.constant 0 : i32
        %dma_start3A_162 = tpu.memref_slice %arg13[%dma_start3A_160, %dma_start3A_161] : memref<5120x128xf32, #tpu.memory_space<vmem_shared>> -> memref<5120x128xf32, #tpu.memory_space<vmem_shared>>
        tpu.enqueue_indirect_dma source(%arg10 : memref<256x128xf32, #tpu.memory_space<vmem>>) target(%dma_start3A_162 : memref<5120x128xf32, #tpu.memory_space<vmem_shared>>) offsets(%dma_start3A_159 : memref<256xi32, #tpu.memory_space<vmem>>) semaphore(%run_scoped3A : memref<!tpu.dma_semaphore, #tpu.memory_space<semaphore_mem>>) {add = true}
        %dma_wait3A_163 = tpu.memref_slice %arg8[%mul3A_158] : memref<10240xi32, #tpu.memory_space<vmem>> -> memref<256xi32, #tpu.memory_space<vmem>>
        %dma_wait3A_164 = arith.constant 0 : i32
        %dma_wait3A_165 = arith.constant 0 : i32
        %dma_wait3A_166 = tpu.memref_slice %arg13[%dma_wait3A_164, %dma_wait3A_165] : memref<5120x128xf32, #tpu.memory_space<vmem_shared>> -> memref<5120x128xf32, #tpu.memory_space<vmem_shared>>
        tpu.wait_indirect_dma semaphore(%run_scoped3A : memref<!tpu.dma_semaphore, #tpu.memory_space<semaphore_mem>>) src(%arg10 : memref<256x128xf32, #tpu.memory_space<vmem>>) dst(%dma_wait3A_166 : memref<5120x128xf32, #tpu.memory_space<vmem_shared>>)
        tpu.yield
      }) : () -> ()
    }
    %scan3A_80 = arith.constant 19 : i32
    %dma_start3A_81 = arith.constant 9984 : i32
    %dma_start3A_82 = tpu.memref_slice %arg7[%dma_start3A_81] : memref<10240xi32, #tpu.memory_space<vmem>> -> memref<256xi32, #tpu.memory_space<vmem>>
    %dma_start3A_83 = arith.constant 0 : i32
    %dma_start3A_84 = arith.constant 0 : i32
    %dma_start3A_85 = tpu.memref_slice %arg2[%dma_start3A_83, %dma_start3A_84] : memref<20000x128xf32, #tpu.memory_space<hbm>> -> memref<20000x128xf32, #tpu.memory_space<hbm>>
    tpu.enqueue_indirect_dma source(%dma_start3A_85 : memref<20000x128xf32, #tpu.memory_space<hbm>>) target(%arg10 : memref<256x128xf32, #tpu.memory_space<vmem>>) offsets(%dma_start3A_82 : memref<256xi32, #tpu.memory_space<vmem>>) semaphore(%arg12 : memref<!tpu.dma_semaphore, #tpu.memory_space<semaphore_mem>>)
    %dma_wait3A_86 = arith.constant 9728 : i32
    %dma_wait3A_87 = tpu.memref_slice %arg7[%dma_wait3A_86] : memref<10240xi32, #tpu.memory_space<vmem>> -> memref<256xi32, #tpu.memory_space<vmem>>
    %dma_wait3A_88 = arith.constant 0 : i32
    %dma_wait3A_89 = arith.constant 0 : i32
    %dma_wait3A_90 = tpu.memref_slice %arg2[%dma_wait3A_88, %dma_wait3A_89] : memref<20000x128xf32, #tpu.memory_space<hbm>> -> memref<20000x128xf32, #tpu.memory_space<hbm>>
    tpu.wait_indirect_dma semaphore(%arg11 : memref<!tpu.dma_semaphore, #tpu.memory_space<semaphore_mem>>) src(%dma_wait3A_90 : memref<20000x128xf32, #tpu.memory_space<hbm>>) dst(%arg9 : memref<256x128xf32, #tpu.memory_space<vmem>>)
    "tpu.region"() ({
      %run_scoped3A = tpu.sem_alloc : memref<!tpu.dma_semaphore, #tpu.memory_space<semaphore_mem>>
      %dma_start3A_110 = arith.constant 9728 : i32
      %dma_start3A_111 = tpu.memref_slice %arg8[%dma_start3A_110] : memref<10240xi32, #tpu.memory_space<vmem>> -> memref<256xi32, #tpu.memory_space<vmem>>
      %dma_start3A_112 = arith.constant 0 : i32
      %dma_start3A_113 = arith.constant 0 : i32
      %dma_start3A_114 = tpu.memref_slice %arg13[%dma_start3A_112, %dma_start3A_113] : memref<5120x128xf32, #tpu.memory_space<vmem_shared>> -> memref<5120x128xf32, #tpu.memory_space<vmem_shared>>
      tpu.enqueue_indirect_dma source(%arg9 : memref<256x128xf32, #tpu.memory_space<vmem>>) target(%dma_start3A_114 : memref<5120x128xf32, #tpu.memory_space<vmem_shared>>) offsets(%dma_start3A_111 : memref<256xi32, #tpu.memory_space<vmem>>) semaphore(%run_scoped3A : memref<!tpu.dma_semaphore, #tpu.memory_space<semaphore_mem>>) {add = true}
      %dma_wait3A_115 = arith.constant 9728 : i32
      %dma_wait3A_116 = tpu.memref_slice %arg8[%dma_wait3A_115] : memref<10240xi32, #tpu.memory_space<vmem>> -> memref<256xi32, #tpu.memory_space<vmem>>
      %dma_wait3A_117 = arith.constant 0 : i32
      %dma_wait3A_118 = arith.constant 0 : i32
      %dma_wait3A_119 = tpu.memref_slice %arg13[%dma_wait3A_117, %dma_wait3A_118] : memref<5120x128xf32, #tpu.memory_space<vmem_shared>> -> memref<5120x128xf32, #tpu.memory_space<vmem_shared>>
      tpu.wait_indirect_dma semaphore(%run_scoped3A : memref<!tpu.dma_semaphore, #tpu.memory_space<semaphore_mem>>) src(%arg9 : memref<256x128xf32, #tpu.memory_space<vmem>>) dst(%dma_wait3A_119 : memref<5120x128xf32, #tpu.memory_space<vmem_shared>>)
      tpu.yield
    }) : () -> ()
    %dma_wait3A_91 = arith.constant 9984 : i32
    %dma_wait3A_92 = tpu.memref_slice %arg7[%dma_wait3A_91] : memref<10240xi32, #tpu.memory_space<vmem>> -> memref<256xi32, #tpu.memory_space<vmem>>
    %dma_wait3A_93 = arith.constant 0 : i32
    %dma_wait3A_94 = arith.constant 0 : i32
    %dma_wait3A_95 = tpu.memref_slice %arg2[%dma_wait3A_93, %dma_wait3A_94] : memref<20000x128xf32, #tpu.memory_space<hbm>> -> memref<20000x128xf32, #tpu.memory_space<hbm>>
    tpu.wait_indirect_dma semaphore(%arg12 : memref<!tpu.dma_semaphore, #tpu.memory_space<semaphore_mem>>) src(%dma_wait3A_95 : memref<20000x128xf32, #tpu.memory_space<hbm>>) dst(%arg10 : memref<256x128xf32, #tpu.memory_space<vmem>>)
    "tpu.region"() ({
      %run_scoped3A = tpu.sem_alloc : memref<!tpu.dma_semaphore, #tpu.memory_space<semaphore_mem>>
      %dma_start3A_110 = arith.constant 9984 : i32
      %dma_start3A_111 = tpu.memref_slice %arg8[%dma_start3A_110] : memref<10240xi32, #tpu.memory_space<vmem>> -> memref<256xi32, #tpu.memory_space<vmem>>
      %dma_start3A_112 = arith.constant 0 : i32
      %dma_start3A_113 = arith.constant 0 : i32
      %dma_start3A_114 = tpu.memref_slice %arg13[%dma_start3A_112, %dma_start3A_113] : memref<5120x128xf32, #tpu.memory_space<vmem_shared>> -> memref<5120x128xf32, #tpu.memory_space<vmem_shared>>
      tpu.enqueue_indirect_dma source(%arg10 : memref<256x128xf32, #tpu.memory_space<vmem>>) target(%dma_start3A_114 : memref<5120x128xf32, #tpu.memory_space<vmem_shared>>) offsets(%dma_start3A_111 : memref<256xi32, #tpu.memory_space<vmem>>) semaphore(%run_scoped3A : memref<!tpu.dma_semaphore, #tpu.memory_space<semaphore_mem>>) {add = true}
      %dma_wait3A_115 = arith.constant 9984 : i32
      %dma_wait3A_116 = tpu.memref_slice %arg8[%dma_wait3A_115] : memref<10240xi32, #tpu.memory_space<vmem>> -> memref<256xi32, #tpu.memory_space<vmem>>
      %dma_wait3A_117 = arith.constant 0 : i32
      %dma_wait3A_118 = arith.constant 0 : i32
      %dma_wait3A_119 = tpu.memref_slice %arg13[%dma_wait3A_117, %dma_wait3A_118] : memref<5120x128xf32, #tpu.memory_space<vmem_shared>> -> memref<5120x128xf32, #tpu.memory_space<vmem_shared>>
      tpu.wait_indirect_dma semaphore(%run_scoped3A : memref<!tpu.dma_semaphore, #tpu.memory_space<semaphore_mem>>) src(%arg10 : memref<256x128xf32, #tpu.memory_space<vmem>>) dst(%dma_wait3A_119 : memref<5120x128xf32, #tpu.memory_space<vmem_shared>>)
      tpu.yield
    }) : () -> ()
    %barrier3A_96 = arith.constant 0 : index
    tpu.barrier barrier_id(%barrier3A_96)
    %add3A_97 = arith.constant 5000 : i32
    %add3A_98 = arith.addi %mul3A_7, %add3A_97 : i32
    %lt3A_99 = arith.constant 15 : i32
    %lt3A_100 = arith.cmpi slt, %arg1, %lt3A_99 : i32
    %convert_element_type3A_101 = arith.extui %lt3A_100 : i1 to i32
    %cond3A_102 = arith.constant 0 : i32
    %cond3A_103 = arith.cmpi ne, %convert_element_type3A_101, %cond3A_102 : i32
    scf.if %cond3A_103 {
      %mul3A_110 = arith.constant 312 : i32
      %mul3A_111 = arith.muli %arg1, %mul3A_110 : i32
      %add3A_112 = arith.constant 8 : i32
      %add3A_113 = arith.addi %add3A_112, %mul3A_111 : i32
      %mul3A_114 = arith.constant 312 : i32
      %mul3A_115 = arith.muli %arg1, %mul3A_114 : i32
      %add3A_116 = arith.addi %add3A_98, %mul3A_115 : i32
      "tpu.region"() ({
        %run_scoped3A = tpu.sem_alloc : memref<!tpu.dma_semaphore, #tpu.memory_space<semaphore_mem>>
        %dma_start3A_117 = arith.constant 0 : i32
        %dma_start3A_118 = tpu.memref_slice %arg6[%add3A_116, %dma_start3A_117] : memref<20000x128xf32, #tpu.memory_space<hbm>> -> memref<312x128xf32, #tpu.memory_space<hbm>>
        %dma_start3A_119 = arith.constant 0 : i32
        %dma_start3A_120 = tpu.memref_slice %arg13[%add3A_113, %dma_start3A_119] : memref<5120x128xf32, #tpu.memory_space<vmem_shared>> -> memref<312x128xf32, #tpu.memory_space<vmem_shared>>
        tpu.enqueue_dma source(%dma_start3A_120 : memref<312x128xf32, #tpu.memory_space<vmem_shared>>) target(%dma_start3A_118 : memref<312x128xf32, #tpu.memory_space<hbm>>) target_semaphore(%run_scoped3A : memref<!tpu.dma_semaphore, #tpu.memory_space<semaphore_mem>>)
        %dma_wait3A_121 = arith.constant 0 : i32
        %dma_wait3A_122 = tpu.memref_slice %arg6[%add3A_116, %dma_wait3A_121] : memref<20000x128xf32, #tpu.memory_space<hbm>> -> memref<312x128xf32, #tpu.memory_space<hbm>>
        %dma_wait3A_123 = arith.constant 0 : i32
        %dma_wait3A_124 = tpu.memref_slice %arg13[%add3A_113, %dma_wait3A_123] : memref<5120x128xf32, #tpu.memory_space<vmem_shared>> -> memref<312x128xf32, #tpu.memory_space<vmem_shared>>
        tpu.wait_dma2 semaphore(%run_scoped3A : memref<!tpu.dma_semaphore, #tpu.memory_space<semaphore_mem>>) src(%dma_wait3A_124 : memref<312x128xf32, #tpu.memory_space<vmem_shared>>) dst(%dma_wait3A_122 : memref<312x128xf32, #tpu.memory_space<hbm>>)
        tpu.yield
      }) : () -> ()
    } else {
    }
    %eq3A_104 = arith.constant 15 : i32
    %eq3A_105 = arith.cmpi eq, %arg1, %eq3A_104 : i32
    %convert_element_type3A_106 = arith.extui %eq3A_105 : i1 to i32
    %cond3A_107 = arith.constant 0 : i32
    %cond3A_108 = arith.cmpi ne, %convert_element_type3A_106, %cond3A_107 : i32
    scf.if %cond3A_108 {
      %add3A_110 = arith.constant 4680 : i32
      %add3A_111 = arith.addi %add3A_98, %add3A_110 : i32
      "tpu.region"() ({
        %run_scoped3A = tpu.sem_alloc : memref<!tpu.dma_semaphore, #tpu.memory_space<semaphore_mem>>
        %dma_start3A_112 = arith.constant 0 : i32
        %dma_start3A_113 = tpu.memref_slice %arg6[%add3A_111, %dma_start3A_112] : memref<20000x128xf32, #tpu.memory_space<hbm>> -> memref<320x128xf32, #tpu.memory_space<hbm>>
        %dma_start3A_114 = arith.constant 4688 : i32
        %dma_start3A_115 = arith.constant 0 : i32
        %dma_start3A_116 = tpu.memref_slice %arg13[%dma_start3A_114, %dma_start3A_115] : memref<5120x128xf32, #tpu.memory_space<vmem_shared>> -> memref<320x128xf32, #tpu.memory_space<vmem_shared>>
        tpu.enqueue_dma source(%dma_start3A_116 : memref<320x128xf32, #tpu.memory_space<vmem_shared>>) target(%dma_start3A_113 : memref<320x128xf32, #tpu.memory_space<hbm>>) target_semaphore(%run_scoped3A : memref<!tpu.dma_semaphore, #tpu.memory_space<semaphore_mem>>)
        %dma_wait3A_117 = arith.constant 0 : i32
        %dma_wait3A_118 = tpu.memref_slice %arg6[%add3A_111, %dma_wait3A_117] : memref<20000x128xf32, #tpu.memory_space<hbm>> -> memref<320x128xf32, #tpu.memory_space<hbm>>
        %dma_wait3A_119 = arith.constant 4688 : i32
        %dma_wait3A_120 = arith.constant 0 : i32
        %dma_wait3A_121 = tpu.memref_slice %arg13[%dma_wait3A_119, %dma_wait3A_120] : memref<5120x128xf32, #tpu.memory_space<vmem_shared>> -> memref<320x128xf32, #tpu.memory_space<vmem_shared>>
        tpu.wait_dma2 semaphore(%run_scoped3A : memref<!tpu.dma_semaphore, #tpu.memory_space<semaphore_mem>>) src(%dma_wait3A_121 : memref<320x128xf32, #tpu.memory_space<vmem_shared>>) dst(%dma_wait3A_118 : memref<320x128xf32, #tpu.memory_space<hbm>>)
        tpu.yield
      }) : () -> ()
    } else {
    }
    %barrier3A_109 = arith.constant 0 : index
    tpu.barrier barrier_id(%barrier3A_109)
    return
  }
}

module attributes {stable_mosaic.version = 14 : i64} {
  func.func @_stage1_body(%arg0: i32, %arg1: i32, %arg2: memref<1000x256xf32, #tpu.memory_space<vmem>>, %arg3: memref<1000x256xf32, #tpu.memory_space<vmem>>, %arg4: memref<512x128xf32, #tpu.memory_space<vmem>>, %arg5: memref<1000x128xf32, #tpu.memory_space<vmem>>) attributes {dimension_semantics = [#tpu.dimension_semantics<arbitrary>, #tpu.dimension_semantics<arbitrary>], iteration_bounds = array<i64: 10, 2>, scalar_prefetch = 0 : i64, scratch_operands = 0 : i64, tpu.core_type = #tpu.core_type<tc>, window_params = [{transform_indices = @transform_0, window_bounds = array<i64: 1000, 256>}, {transform_indices = @transform_1, window_bounds = array<i64: 1000, 256>}, {transform_indices = @transform_2, window_bounds = array<i64: 512, 128>}, {transform_indices = @transform_3, window_bounds = array<i64: 1000, 128>}]} {
    %get3A = arith.constant 0 : index
    %get3A_0 = arith.constant 0 : index
    %get3A_1 = vector.load %arg4[%get3A, %get3A_0] : memref<512x128xf32, #tpu.memory_space<vmem>>, vector<512x128xf32>
    %get3A_2 = arith.constant 0 : index
    %get3A_3 = arith.constant 0 : index
    %get3A_4 = vector.load %arg2[%get3A_2, %get3A_3] : memref<1000x256xf32, #tpu.memory_space<vmem>>, vector<1000x256xf32>
    %slice3A = vector.extract_strided_slice %get3A_1 {offsets = [0, 0], sizes = [256, 128], strides = [1, 1]} : vector<512x128xf32> to vector<256x128xf32>
    %dot_general3A = arith.constant dense<0.000000e+00> : vector<1000x128xf32>
    %dot_general3A_5 = tpu.matmul %get3A_4, %slice3A, %dot_general3A {dimension_numbers = #tpu.dot_dimension_numbers<[1], [0], [0], [1], [0, 0, 1, 1], [], []>, transpose_lhs_hint = false} : vector<1000x256xf32>, vector<256x128xf32>, vector<1000x128xf32> -> vector<1000x128xf32>
    %get3A_6 = arith.constant 0 : index
    %get3A_7 = arith.constant 0 : index
    %get3A_8 = vector.load %arg3[%get3A_6, %get3A_7] : memref<1000x256xf32, #tpu.memory_space<vmem>>, vector<1000x256xf32>
    %slice3A_9 = vector.extract_strided_slice %get3A_1 {offsets = [256, 0], sizes = [256, 128], strides = [1, 1]} : vector<512x128xf32> to vector<256x128xf32>
    %dot_general3A_10 = arith.constant dense<0.000000e+00> : vector<1000x128xf32>
    %dot_general3A_11 = tpu.matmul %get3A_8, %slice3A_9, %dot_general3A_10 {dimension_numbers = #tpu.dot_dimension_numbers<[1], [0], [0], [1], [0, 0, 1, 1], [], []>, transpose_lhs_hint = false} : vector<1000x256xf32>, vector<256x128xf32>, vector<1000x128xf32> -> vector<1000x128xf32>
    %add3A = arith.addf %dot_general3A_5, %dot_general3A_11 : vector<1000x128xf32>
    %swap3A = arith.constant 0 : index
    %swap3A_12 = arith.constant 0 : index
    %swap3A_13 = vector.load %arg5[%swap3A, %swap3A_12] : memref<1000x128xf32, #tpu.memory_space<vmem>>, vector<1000x128xf32>
    tpu.vector_store %arg5[%swap3A, %swap3A_12], %add3A {strides = array<i32>} : memref<1000x128xf32, #tpu.memory_space<vmem>>, vector<1000x128xf32>,
    return
  }
  func.func @transform_0(%arg0: i32, %arg1: i32) -> (i32, i32) {
    %c0_i32 = arith.constant 0 : i32
    %c0_i32_0 = arith.constant 0 : i32
    return %arg0, %c0_i32 : i32, i32
  }
  func.func @transform_1(%arg0: i32, %arg1: i32) -> (i32, i32) {
    %c0_i32 = arith.constant 0 : i32
    %c0_i32_0 = arith.constant 0 : i32
    return %arg0, %c0_i32 : i32, i32
  }
  func.func @transform_2(%arg0: i32, %arg1: i32) -> (i32, i32) {
    %c0_i32 = arith.constant 0 : i32
    %c0_i32_0 = arith.constant 0 : i32
    return %c0_i32, %arg1 : i32, i32
  }
  func.func @transform_3(%arg0: i32, %arg1: i32) -> (i32, i32) {
    %mul3A = arith.constant 10 : i32
    %mul3A_0 = arith.muli %arg1, %mul3A : i32
    %add3A = arith.addi %mul3A_0, %arg0 : i32
    %c0_i32 = arith.constant 0 : i32
    %c0_i32_1 = arith.constant 0 : i32
    return %add3A, %c0_i32 : i32, i32
  }
}

module attributes {stable_mosaic.version = 14 : i64} {
  func.func @_stage3_body(%arg0: i32, %arg1: memref<1000x128xf32, #tpu.memory_space<vmem>>, %arg2: memref<1000x128xf32, #tpu.memory_space<vmem>>, %arg3: memref<1000x128xf32, #tpu.memory_space<vmem>>, %arg4: memref<1000x128xf32, #tpu.memory_space<vmem>>, %arg5: memref<1x256xf32, #tpu.memory_space<vmem>>, %arg6: memref<256x256xf32, #tpu.memory_space<vmem>>, %arg7: memref<1x256xf32, #tpu.memory_space<vmem>>, %arg8: memref<1000x256xf32, #tpu.memory_space<vmem>>) attributes {dimension_semantics = [#tpu.dimension_semantics<arbitrary>], iteration_bounds = array<i64: 10>, scalar_prefetch = 0 : i64, scratch_operands = 0 : i64, tpu.core_type = #tpu.core_type<tc>, window_params = [{transform_indices = @transform_0, window_bounds = array<i64: 1000, 128>}, {transform_indices = @transform_1, window_bounds = array<i64: 1000, 128>}, {transform_indices = @transform_2, window_bounds = array<i64: 1000, 128>}, {transform_indices = @transform_3, window_bounds = array<i64: 1000, 128>}, {pipeline_mode = #tpu.pipeline_mode<synchronous>, transform_indices = @transform_4, window_bounds = array<i64: 1, 256>}, {pipeline_mode = #tpu.pipeline_mode<synchronous>, transform_indices = @transform_5, window_bounds = array<i64: 256, 256>}, {pipeline_mode = #tpu.pipeline_mode<synchronous>, transform_indices = @transform_6, window_bounds = array<i64: 1, 256>}, {transform_indices = @transform_7, window_bounds = array<i64: 1000, 256>}]} {
    %get3A = arith.constant 0 : index
    %get3A_0 = arith.constant 0 : index
    %get3A_1 = vector.load %arg1[%get3A, %get3A_0] : memref<1000x128xf32, #tpu.memory_space<vmem>>, vector<1000x128xf32>
    %get3A_2 = arith.constant 0 : index
    %get3A_3 = arith.constant 0 : index
    %get3A_4 = vector.load %arg3[%get3A_2, %get3A_3] : memref<1000x128xf32, #tpu.memory_space<vmem>>, vector<1000x128xf32>
    %add3A = arith.addf %get3A_1, %get3A_4 : vector<1000x128xf32>
    %get3A_5 = arith.constant 0 : index
    %get3A_6 = arith.constant 0 : index
    %get3A_7 = vector.load %arg2[%get3A_5, %get3A_6] : memref<1000x128xf32, #tpu.memory_space<vmem>>, vector<1000x128xf32>
    %get3A_8 = arith.constant 0 : index
    %get3A_9 = arith.constant 0 : index
    %get3A_10 = vector.load %arg4[%get3A_8, %get3A_9] : memref<1000x128xf32, #tpu.memory_space<vmem>>, vector<1000x128xf32>
    %add3A_11 = arith.addf %get3A_7, %get3A_10 : vector<1000x128xf32>
    %concatenate3A = tpu.concatenate %add3A, %add3A_11 in 1 : vector<1000x128xf32>, vector<1000x128xf32> -> vector<1000x256xf32>
    %get3A_12 = arith.constant 0 : index
    %get3A_13 = arith.constant 0 : index
    %get3A_14 = vector.load %arg5[%get3A_12, %get3A_13] : memref<1x256xf32, #tpu.memory_space<vmem>>, vector<1x256xf32>
    %add3A_15 = vector.broadcast %get3A_14 : vector<1x256xf32> to vector<1000x256xf32>
    %add3A_16 = arith.addf %concatenate3A, %add3A_15 : vector<1000x256xf32>
    %max3A = arith.constant 0.000000e+00 : f32
    %max3A_17 = vector.broadcast %max3A : f32 to vector<1000x256xf32>
    %max3A_18 = arith.maximumf %add3A_16, %max3A_17 : vector<1000x256xf32>
    %get3A_19 = arith.constant 0 : index
    %get3A_20 = arith.constant 0 : index
    %get3A_21 = vector.load %arg6[%get3A_19, %get3A_20] : memref<256x256xf32, #tpu.memory_space<vmem>>, vector<256x256xf32>
    %dot_general3A = arith.constant dense<0.000000e+00> : vector<1000x256xf32>
    %dot_general3A_22 = tpu.matmul %max3A_18, %get3A_21, %dot_general3A {dimension_numbers = #tpu.dot_dimension_numbers<[1], [0], [0], [1], [0, 0, 1, 1], [], []>, transpose_lhs_hint = false} : vector<1000x256xf32>, vector<256x256xf32>, vector<1000x256xf32> -> vector<1000x256xf32>
    %get3A_23 = arith.constant 0 : index
    %get3A_24 = arith.constant 0 : index
    %get3A_25 = vector.load %arg7[%get3A_23, %get3A_24] : memref<1x256xf32, #tpu.memory_space<vmem>>, vector<1x256xf32>
    %add3A_26 = vector.broadcast %get3A_25 : vector<1x256xf32> to vector<1000x256xf32>
    %add3A_27 = arith.addf %dot_general3A_22, %add3A_26 : vector<1000x256xf32>
    %swap3A = arith.constant 0 : index
    %swap3A_28 = arith.constant 0 : index
    %swap3A_29 = vector.load %arg8[%swap3A, %swap3A_28] : memref<1000x256xf32, #tpu.memory_space<vmem>>, vector<1000x256xf32>
    tpu.vector_store %arg8[%swap3A, %swap3A_28], %add3A_27 {strides = array<i32>} : memref<1000x256xf32, #tpu.memory_space<vmem>>, vector<1000x256xf32>,
    return
  }
  func.func @transform_0(%arg0: i32) -> (i32, i32) {
    %c0_i32 = arith.constant 0 : i32
    %c0_i32_0 = arith.constant 0 : i32
    return %arg0, %c0_i32 : i32, i32
  }
  func.func @transform_1(%arg0: i32) -> (i32, i32) {
    %add3A = arith.constant 10 : i32
    %add3A_0 = arith.addi %add3A, %arg0 : i32
    %c0_i32 = arith.constant 0 : i32
    %c0_i32_1 = arith.constant 0 : i32
    return %add3A_0, %c0_i32 : i32, i32
  }
  func.func @transform_2(%arg0: i32) -> (i32, i32) {
    %c0_i32 = arith.constant 0 : i32
    %c0_i32_0 = arith.constant 0 : i32
    return %arg0, %c0_i32 : i32, i32
  }
  func.func @transform_3(%arg0: i32) -> (i32, i32) {
    %add3A = arith.constant 10 : i32
    %add3A_0 = arith.addi %add3A, %arg0 : i32
    %c0_i32 = arith.constant 0 : i32
    %c0_i32_1 = arith.constant 0 : i32
    return %add3A_0, %c0_i32 : i32, i32
  }
  func.func @transform_4(%arg0: i32) -> (i32, i32) {
    %c0_i32 = arith.constant 0 : i32
    %c0_i32_0 = arith.constant 0 : i32
    %c0_i32_1 = arith.constant 0 : i32
    return %c0_i32, %c0_i32_0 : i32, i32
  }
  func.func @transform_5(%arg0: i32) -> (i32, i32) {
    %c0_i32 = arith.constant 0 : i32
    %c0_i32_0 = arith.constant 0 : i32
    %c0_i32_1 = arith.constant 0 : i32
    return %c0_i32, %c0_i32_0 : i32, i32
  }
  func.func @transform_6(%arg0: i32) -> (i32, i32) {
    %c0_i32 = arith.constant 0 : i32
    %c0_i32_0 = arith.constant 0 : i32
    %c0_i32_1 = arith.constant 0 : i32
    return %c0_i32, %c0_i32_0 : i32, i32
  }
  func.func @transform_7(%arg0: i32) -> (i32, i32) {
    %c0_i32 = arith.constant 0 : i32
    %c0_i32_0 = arith.constant 0 : i32
    return %arg0, %c0_i32 : i32, i32
  }
}

</mosaic_0001>

<sc_bundles>
// kernel: kernel.5.cloned.1.call-start
scs
__scs_entry_jumppad:
0x0: {  	(pc) =	sbr.rel $0x88, $3  }
0x1: {  	(tag) =	ssettag $0x0;
	lr =	simm.s32 $0x1  }
0x2: {  	[smem:$0x3F9A] =	sst lr;
	_ =	strace $0xD0000000  }
0x3: {  	_ = 	snop  }
0x4: {  	_ = 	snop  }
0x5: {  	_ = 	snop  }
0x6: {  	_ = 	snop  }
0x7: {  	_ = 	snop  }
__scs_overlays_trampoline_lowered:
0x8: {  	[smem:$0x3FA9] =	sst s0  }
0x9: {  	[smem:$0x3FAA] =	sst s1  }
0xa: {  	[smem:$0x3FAB] =	sst s2  }
0xb: {  	[smem:$0x3FAC] =	sst s3  }
0xc: {  	[smem:$0x3FAD] =	sst s4  }
0xd: {  	[smem:$0x3FAE] =	sst s5  }
0xe: {  	[smem:$0x3FAF] =	sst s6  }
0xf: {  	[smem:$0x3FB0] =	sst s7  }
0x10: {  	[smem:$0x3FB1] =	sst s8  }
0x11: {  	[smem:$0x3FB2] =	sst s9;
	s0 =	simm.s32 @!p0 $0x0  }
0x12: {  	s1 =	sld [smem:$0x3F98];
	s0 =	simm.s32 @p0 $0x1  }
0x13: {  	[smem:$0x3FB3] =	sst s0;
	s0 =	simm.s32 @!p1 $0x0  }
0x14: {  	s2 =	sld [smem:$0x3F97];
	s0 =	simm.s32 @p1 $0x1  }
0x15: {  	[smem:$0x3FB4] =	sst s0;
	s0 =	simm.s32 @!p2 $0x0  }
0x16: {  	s3 =	sld [smem:$0x3FDB];
	s0 =	simm.s32 @p2 $0x1  }
0x17: {  	s4 =	simm.s32 $0x1BF5;
	[smem:$0x3FB6] =	sst s0  }
0x18: {  	s0 =	sld [smem:$0x3F99];
	_ =	swait.ge [sflag:s4], $0x0  }
0x19: {  	s7 =	sld [smem:$0x3F9A]  }
0x1a: {  	s8 =	sadd.s32 $0xFFFFE003, lr  }
0x1b: {  	s9 =	sadd.s32 $0xFFFFFEF7, lr;
	s5 =	simm.s32 $0xFFFFFFFF;
	p2 =	slt.u32 s8, $0xFFFFF086  }
0x1c: {  	p1 =	slt.u32 s9, $0xF7A;
	s5 =	simm.s32 @!p2 $0x0  }
0x1d: {  	s5 =	simm.s32 @p1 $0x1;
	p0 =	seq.s32 s7, s2  }
0x1e: {  	s7 =	smul.u32 @!p0 $0xF7A, s2;
	p2 =	seq.s32 @!p0 s5, $0x0  }
0x1f: {  	s9 =	smul.u32 $0xF7A, s1;
	s8 =	simm.s32 @!p0 $0x1BF5;
	p2 =	por !p2, p0  }
0x20: {  	[sflag:s8] =	ssyncset.s32 @!p0 $0xFFFFF086;
	s6 =	sadd.s32 @!p0 s3, s7;
	s7 =	simm.s32 @!p0 $0x108  }
0x21: {  	s3 =	sadd.s32 s3, s9;
	s6 =	sadd.s32 @!p0 $0x88, s6;
	s7 =	simm.s32 @p2 $0x1082  }
0x22: {  	[simem:s7], [sflag:s8] =	dma.local @!p0 [hbm:s6], $0xF7A  }
0x23: {  	s9 =	sor.u32 $0xD0000000, s2;
	s6 =	simm.s32 $0x108;
	_ =	swait.ge @!p0 [sflag:s8], $0x0  }
0x24: {  	s3 =	sadd.s32 $0x88, s3;
	s6 =	simm.s32 @!p1 $0x1082;
	[sflag:s4] =	ssyncset.s32 $0xFFFFF086  }
0x25: {  	[simem:s6], [sflag:s4] =	dma.local [hbm:s3], $0xF7A  }
0x26: {  	[smem:$0x3F9A] =	sst s1;
	(tag) =	ssettag s2;
	_ =	strace s9  }
0x27: {  	s1 =	sld [smem:$0x3FAA]  }
0x28: {  	s2 =	sld [smem:$0x3FAB]  }
0x29: {  	s4 =	sld [smem:$0x3FAD]  }
0x2a: {  	p0 =	seq.s32 s5, $0x0;
	s5 =	sld [smem:$0x3FAE]  }
0x2b: {  	s6 =	sld [smem:$0x3FAF]  }
0x2c: {  	s7 =	sld [smem:$0x3FB0]  }
0x2d: {  	s3 =	simm.s32 $0x108;
	s8 =	sld [smem:$0x3FB1]  }
0x2e: {  	s3 =	simm.s32 @!p0 $0x1082;
	s9 =	sld [smem:$0x3FB2]  }
0x2f: {  	lr =	sadd.s32 s0, s3;
	s0 =	sld [smem:$0x3FA9]  }
0x30: {  	s3 =	sld [smem:$0x3FAC]  }
0x31: {  	[smem:$0x3FB5] =	sst s10  }
0x32: {  	s10 =	sld [smem:$0x3FB3];
	_ =	sdelay $0x3  }
0x33: {  	p0 =	seq.s32 s10, $0x1;
	s10 =	sld [smem:$0x3FB5];
	_ =	sdelay $0x3  }
0x34: {  	[smem:$0x3FB5] =	sst s10  }
0x35: {  	s10 =	sld [smem:$0x3FB4];
	_ =	sdelay $0x3  }
0x36: {  	p1 =	seq.s32 s10, $0x1;
	s10 =	sld [smem:$0x3FB5];
	_ =	sdelay $0x3  }
0x37: {  	[smem:$0x3FB5] =	sst s10  }
0x38: {  	s10 =	sld [smem:$0x3FB6]  }
0x39: {  	_ = 	snop;
	(pc) =	sbr.ind lr, $3  }
0x3a: {  	_ = 	snop  }
0x3b: {  	_ = 	snop  }
0x3c: {  	p2 =	seq.s32 s10, $0x1;
	s10 =	sld [smem:$0x3FB5]  }
0x3d: {  	_ =	shalt  }
0x3e: {  	_ =	shalt  }
0x3f: {  	_ =	shalt  }
0x40: {  	_ =	shalt  }
0x41: {  	_ =	shalt  }
0x42: {  	_ =	shalt  }
0x43: {  	_ =	shalt  }
0x44: {  	_ =	shalt  }
0x45: {  	_ =	shalt  }
0x46: {  	_ =	shalt  }
0x47: {  	_ =	shalt  }
0x48: {  	_ =	shalt  }
0x49: {  	_ =	shalt  }
0x4a: {  	_ =	shalt  }
0x4b: {  	_ =	shalt  }
0x4c: {  	_ =	shalt  }
0x4d: {  	_ =	shalt  }
0x4e: {  	_ =	shalt  }
0x4f: {  	_ =	shalt  }
0x50: {  	_ =	shalt  }
0x51: {  	_ =	shalt  }
0x52: {  	_ =	shalt  }
0x53: {  	_ =	shalt  }
0x54: {  	_ =	shalt  }
0x55: {  	_ =	shalt  }
0x56: {  	_ =	shalt  }
0x57: {  	_ =	shalt  }
0x58: {  	_ =	shalt  }
0x59: {  	_ =	shalt  }
0x5a: {  	_ =	shalt  }
0x5b: {  	_ =	shalt  }
0x5c: {  	_ =	shalt  }
0x5d: {  	_ =	shalt  }
0x5e: {  	_ =	shalt  }
0x5f: {  	_ =	shalt  }
0x60: {  	_ =	shalt  }
0x61: {  	_ =	shalt  }
0x62: {  	_ =	shalt  }
0x63: {  	_ =	shalt  }
0x64: {  	_ =	shalt  }
0x65: {  	_ =	shalt  }
0x66: {  	_ =	shalt  }
0x67: {  	_ =	shalt  }
0x68: {  	_ =	shalt  }
0x69: {  	_ =	shalt  }
0x6a: {  	_ =	shalt  }
0x6b: {  	_ =	shalt  }
0x6c: {  	_ =	shalt  }
0x6d: {  	_ =	shalt  }
0x6e: {  	_ =	shalt  }
0x6f: {  	_ =	shalt  }
0x70: {  	_ =	shalt  }
0x71: {  	_ =	shalt  }
0x72: {  	_ =	shalt  }
0x73: {  	_ =	shalt  }
0x74: {  	_ =	shalt  }
0x75: {  	_ =	shalt  }
0x76: {  	_ =	shalt  }
0x77: {  	_ =	shalt  }
0x78: {  	_ =	shalt  }
0x79: {  	_ =	shalt  }
0x7a: {  	_ =	shalt  }
0x7b: {  	_ =	shalt  }
0x7c: {  	_ =	shalt  }
0x7d: {  	_ =	shalt  }
0x7e: {  	_ =	shalt  }
0x7f: {  	_ =	shalt  }
0x80: {  	_ =	shalt  }
0x81: {  	_ =	shalt  }
0x82: {  	_ =	shalt  }
0x83: {  	_ =	shalt  }
0x84: {  	_ =	shalt  }
0x85: {  	_ =	shalt  }
0x86: {  	_ =	shalt  }
0x87: {  	_ =	shalt  }
.Lfunc_end0:
.L_simem_size_0:
called_computation_lowered:
.L_overlay_start_0:
0x88: {  	s2 =	sld [smem:$0x3FD9]  }
0x89: {  	s3 =	sld [smem:$0x3FFE];
	_ =	sdelay $0x1  }
0x8a: {  	s1 =	srdreg.scid  }
0x8b: {  	s0 =	sand.u32 $0x1, s1  }
0x8c: {  	s17 =	sshll.u32 s0, $0xA;
	s2 =	sadd.s32 s3, s2  }
0x8d: {  	s2 =	sadd.s32 s2, s17  }
0x8e: {  	[smem:$0x3FC1] =	sst s2  }
0x8f: {  	_ = 	snop  }
0x90: {  	s2 =	sld [smem:$0x3FD0];
	(tm) =	ssettm $0x1  }
0x91: {  	s18 =	sld [smem:$0x3FFB];
	_ =	sdelay $0x3  }
0x92: {  	_ =	strace s18  }
0x93: {  	s3 =	sld [smem:$0x3FFC];
	_ =	sdelay $0x3  }
0x94: {  	_ =	strace s3  }
0x95: {  	s3 =	sld [smem:$0x3FFD];
	_ =	sdelay $0x3  }
0x96: {  	_ =	strace s3  }
0x97: {  	_ =	strace $0x8FFFFFFF  }
0x98: {  	s19 =	sld [smem:$0x3FDB];
	_ =	sdelay $0x1  }
0x99: {  	s4 =	simm.s32 $_scs_section_size  }
0x9a: {  	s5 =	simm.s32 $_size__tile_overlayer_lowered;
	s6 =	simm.s32 $_tile_overlayer_lowered  }
0x9b: {  	s22 =	simm.s32 $0x1BFF;
	s21 =	sshll.u32 s6, $0x1;
	s3 =	sadd.s32 s4, s19  }
0x9c: {  	s7 =	simm.s32 $0x0;
	s20 =	sshll.u32 s5, $0x1;
	s5 =	sadd.s32 s21, s3  }
0x9d: {  	[timem:s7], [sflag:s22] =	dma.local [hbm:s5], s20  }
0x9e: {  	_ =	swait.ge [sflag:s22], s20  }
0x9f: {  	s4 =	ssub.s32 $0x0, s20;
	[sflag:s22] =	ssyncset.done $0x0  }
0xa0: {  	[sflag:s22] =	ssyncadd.s32 s4;
	_ =	sdelay $0x1  }
0xa1: {  	s23 =	simm.s32 $0x1B8B  }
0xa2: {  	_ =	swait.ge [sflag:s23], $0x1  }
0xa3: {  	[sflag:s23] =	ssyncset.done $0x0  }
0xa4: {  	s25 =	simm.s32 $0x1B8E;
	s24 =	sld [smem:$0x3FFE];
	[sflag:s23] =	ssyncadd.s32 $0xFFFFFFFF  }
0xa5: {  	s26 =	simm.s32 $execute0_lowered;
	[smem:$0x3FD2] =	sst s25  }
0xa6: {  	s5 =	sshll.u32 s26, $0x1;
	_ =	strace $0x80000046;
	[dreg:$0x1] =	wrdreg $0xFFFFFFFF  }
0xa7: {  	s28 =	simm.s32 $_size_execute0_lowered;
	s3 =	sadd.s32 s3, s5;
	[dreg:$0x0] =	wrdreg $0x0  }
0xa8: {  	s5 =	sshll.u32 s28, $0x1;
	[dreg:$0x2] =	wrdreg s3  }
0xa9: {  	[dreg:$0x3] =	wrdreg s5  }
0xaa: {  	[dreg:$0x4] =	wrdreg $0xC0  }
0xab: {  	_ =	task [dreg:s7], $0x5FFFF  }
0xac: {  	[dreg:$0x1] =	wrdreg $0xFFFFFFFF  }
0xad: {  	[dreg:$0x0] =	wrdreg $0x60  }
0xae: {  	[dreg:$0x2] =	wrdreg s2  }
0xaf: {  	[dreg:$0x3] =	wrdreg s24  }
0xb0: {  	[dreg:$0x4] =	wrdreg $0x150000  }
0xb1: {  	[dreg:$0x5] =	wrdreg $0x9  }
0xb2: {  	_ =	task.clear_ibuf [dreg:s7], $0x6FFFF;
	_ =	strace $0x90000046  }
0xb3: {  	s29 =	simm.s32 $0x9;
	_ =	strace $0x80000048  }
0xb4: {  	_ =	swait.ge [sflag:s29], $0x1  }
0xb5: {  	[sflag:s29] =	ssyncadd.s32 $0xFFFFFFFF  }
0xb6: {  	_ =	strace $0x90000048  }
0xb7: {  	_ =	sfence  }
0xb8: {  	s30 =	sld [smem:$0x0];
	_ =	sdelay $0x2  }
0xb9: {  	s31 =	sshll.u32 s1, $0xD;
	s1 =	sshrl.u32 s1, $0x2  }
0xba: {  	s3 =	sand.u32 $0x4000, s31;
	s1 =	sadd.s32 s1, s30  }
0xbb: {  	s0 =	sor.u32 s3, s0;
	s1 =	sshll.u32 s1, $0x11  }
0xbc: {  	s0 =	sor.u32 s1, s0  }
0xbd: {  	s0 =	sadd.s32 $0x8F2B, s0  }
0xbe: {  	[sflag:s0] =	ssyncadd.remote.s32 $0x1  }
0xbf: {  	_ =	sfence.sel $0xFFFF  }
0xc0: {  	[dreg:$0x0] =	wrdreg $0xFFFFFFFF;
	(pc) =	sbr.abs _section_cstart, $3  }
0xc1: {  	[dreg:$0x1] =	wrdreg $0xFFFFFFFF  }
0xc2: {  	_ =	task.clear_ibuf [dreg:s7], $0x2FFFF;
	_ =	strace $0x9FFFFFFF  }
0xc3: {  	(tm) =	ssettm $0x7FFFFFFF  }
tec
execute0_lowered:
.L_overlay_start_1:
0x0: {  	(tag) =	ssettag $0x1  }
0x1: {  	s2 =	rddreg [dreg:$0x0]  }
0x2: {  	s0 =	rddreg [dreg:$0x1]  }
0x3: {  	s3 =	rddreg [dreg:$0x2]  }
0x4: {  	s11 =	stileid.u32;
	s5 =	simm.s32 $0x0;
	s23 =	srdreg.scid  }
0x5: {  	s16 =	simm.s32 $0x80;
	s17 =	simm.s32 $0x400;
	s18 =	simm.s32 $0x3  }
0x6: {  	s19 =	simm.s32 $0x2800;
	s20 =	simm.s32 $0xD000;
	s21 =	simm.s32 $0x100  }
0x7: {  	s28 =	simm.s32 $0x2;
	s29 =	simm.s32 $0x2700;
	s31 =	simm.s32 $0x4F00  }
0x8: {  	s1 =	sshrl.u32 s11, $0x3;
	s4 =	sshll.u32 s11, $0x7;
	s7 =	smul.u32 $0x28000, s11  }
0x9: {  	[smem:$0x7FF] =	sst s5;
	s24 =	sand.u32 $0x1, s23;
	s9 =	smul.u32 $0x27000, s11  }
0xa: {  	s10 =	smul.u32 $0x138, s11;
	s22 =	sadd.s32 $0x92400, s3;
	p0 =	seq.s32 s11, $0xF  }
0xb: {  	s1 =	smul.u32 $0x14000, s1;
	s4 =	sand.u32 $0x380, s4;
	_ =	strace $0x80000047  }
0xc: {  	s5 =	ssub.s32 $0x2, s24;
	s30 =	smul.u32 $0x2710, s24;
	s22 =	sshrl.u32 @p0 s22, $0x3  }
0xd: {  	s6 =	sshrl.u32 s5, $0x1;
	s7 =	sshrl.u32 s7, $0x2;
	s9 =	sshrl.u32 s9, $0x2  }
0xe: {  	s1 =	sor.u32 s4, s1;
	s5 =	ssub.s32 s5, s6;
	s7 =	sadd.s32 s7, s3  }
0xf: {  	s4 =	smul.u32 $0x138800, s24;
	s10 =	sadd.s32 s10, s30;
	s9 =	sadd.s32 s9, s3  }
0x10: {  	v0 =	vmov s30;
	s30 =	simm.s32 $0x4E00;
	s1 =	sshrl.u32 s1, $0x3;
	s8 =	sadd.s32 $0x8000, s7  }
0x11: {  	s10 =	sshll.u32 s10, $0x4;
	s15 =	smax.u32 s5, $0x1;
	s1 =	sadd.s32 s1, s0  }
0x12: {  	s0 =	sadd.s32 $0xFE00, s0;
	s4 =	sshrl.u32 s4, $0x3;
	s25 =	sadd.s32 $0xE00, s1  }
0x13: {  	s26 =	sadd.s32 $0xAE00, s1;
	s10 =	sadd.s32 s0, s10;
	[dreg:$0x4] =	wrdreg s25  }
0x14: {  	s0 =	sadd.s32 s0, s4;
	s1 =	sadd.s32 $0x5E00, s1;
	[dreg:$0x5] =	wrdreg s26  }
0x15: {  	s4 =	sadd.s32 $0x12480, s0;
	[dreg:$0x7] =	wrdreg s1;
	s1 =	sadd.s32 $0x400, s9  }
0x16: {  	s13 =	sadd.s32 $0x13880, s10;
	s14 =	sadd.s32 $0x25D00, s0;
	s25 =	simm.s32 $0x5000  }
0x17: {  	s26 =	simm.s32 $0x1;
	[dreg:$0x6] =	wrdreg s4;
	s4 =	sadd.s32 $0x92800, s3  }
0x18: {  	v1 =	vimm.f32 $0.0e+00;
	s0 =	simm.s32 $0x0;
	s24 =	sshrl.u32 @!p0 s1, $0x3;
	s23 =	sshrl.u32 @p0 s4, $0x3  }
.LBB2_1:
0x19: {  	s1 =	simm.s32 $0x0;
	s4 =	rddreg [dreg:$0x4]  }
0x1a: {  	[tilespmem:s1], [sflag:$0x3] =	stream.strided.gather [hbm4b:s4+s16], $0x2800, s17, s16, $0x38;
	[tilespmem:$0x1F000] =	vst v63  }
0x1b: {  	_ =	swait.ge [sflag:s18], $0x2800  }
0x1c: {  	[sflag:s18] =	ssyncset.done $0x0  }
0x1d: {  	s4 =	simm.s32 $0x0;
	[sflag:s18] =	ssyncadd.s32 $0xFFFFD800  }
0x1e: {  	v4 =	vld [tilespmem:s4+$0x0]  }
0x1f: {  	v6 =	vld [tilespmem:s4+$0x10]  }
0x20: {  	v5 =	vld [tilespmem:s4+$0x20]  }
0x21: {  	v3 =	vld [tilespmem:s4+$0x30]  }
0x22: {  	v2 =	vld [tilespmem:s4+$0x40]  }
0x23: {  	v7 =	vadd.s32 v0, v4;
	v4 =	vld [tilespmem:s4+$0x50]  }
0x24: {  	s1 =	simm.s32 $0x200;
	[tilespmem:s4+$0x0] =	vst v7;
	v7 =	vadd.s32 v0, v6;
	v6 =	vld [tilespmem:s4+$0x60]  }
.LBB2_2:
0x25: {  	s5 =	sshra.s32 s1, $0x2;
	p1 =	sne.s32 s1, $0x9E00;
	[tilespmem:s4+$0x10] =	vst v7;
	v5 =	vadd.s32 v0, v5;
	v7 =	vld [tilespmem:s4+$0x70]  }
0x26: {  	v8 =	vld [tilespmem:s5+$0x0];
	[tilespmem:s4+$0x20] =	vst v5;
	v3 =	vadd.s32 v0, v3  }
0x27: {  	v9 =	vld [tilespmem:s5+$0x10];
	[tilespmem:s4+$0x30] =	vst v3;
	v2 =	vadd.s32 v0, v2  }
.Ltmp0:
0x28: {  	v5 =	vld [tilespmem:s5+$0x20];
	[tilespmem:s4+$0x40] =	vst v2;
	v2 =	vadd.s32 v0, v4;
	(pc) =	sbr.rel @p1 .LBB2_2-.Ltmp0, $4  }
0x29: {  	v3 =	vld [tilespmem:s5+$0x30];
	[tilespmem:s4+$0x50] =	vst v2;
	v4 =	vadd.s32 v0, v6  }
0x2a: {  	v2 =	vld [tilespmem:s5+$0x40];
	[tilespmem:s4+$0x60] =	vst v4;
	v6 =	vadd.s32 v0, v7  }
0x2b: {  	v7 =	vadd.s32 v0, v8;
	v4 =	vld [tilespmem:s5+$0x50];
	[tilespmem:s4+$0x70] =	vst v6;
	s4 =	smov.u32 s5  }
0x2c: {  	s1 =	sadd.s32 $0x200, s1;
	[tilespmem:s4+$0x0] =	vst v7;
	v7 =	vadd.s32 v0, v9;
	v6 =	vld [tilespmem:s4+$0x60]  }
0x2d: {  	[tilespmem:s4+$0x10] =	vst v7;
	v5 =	vadd.s32 v0, v5;
	v63 =	vld [tilespmem:s4+$0x70]  }
0x2e: {  	[tilespmem:s4+$0x20] =	vst v5;
	v3 =	vadd.s32 v0, v3  }
0x2f: {  	[tilespmem:s4+$0x30] =	vst v3;
	v2 =	vadd.s32 v0, v2  }
0x30: {  	[tilespmem:s4+$0x40] =	vst v2;
	v2 =	vadd.s32 v0, v4  }
0x31: {  	[tilespmem:s4+$0x50] =	vst v2;
	v2 =	vadd.s32 v0, v6  }
0x32: {  	[tilespmem:s4+$0x60] =	vst v2;
	v2 =	vadd.s32 v0, v63  }
0x33: {  	s1 =	rddreg [dreg:$0x5];
	[tilespmem:s4+$0x70] =	vst v2  }
0x34: {  	[tilespmem:s19], [sflag:$0x3] =	stream.strided.gather [hbm4b:s1+s16], $0x2800, s17, s16, $0x38;
	[tilespmem:$0x1F000] =	vst v63  }
0x35: {  	_ =	swait.ge [sflag:s18], $0x2800  }
0x36: {  	[sflag:s18] =	ssyncset.done $0x0  }
0x37: {  	s4 =	simm.s32 $0x200;
	s1 =	simm.s32 $0x0;
	[sflag:s18] =	ssyncadd.s32 $0xFFFFD800  }
.LBB2_4:
0x38: {  	p1 =	sne.s32 s4, $0x1FE00;
	[tilespmem:s1+$0xD070] =	vst v1  }
0x39: {  	[tilespmem:s1+$0xD000] =	vst v1  }
0x3a: {  	[tilespmem:s1+$0xD010] =	vst v1  }
.Ltmp1:
0x3b: {  	[tilespmem:s1+$0xD020] =	vst v1;
	(pc) =	sbr.rel @p1 .LBB2_4-.Ltmp1, $4  }
0x3c: {  	[tilespmem:s1+$0xD030] =	vst v1  }
0x3d: {  	[tilespmem:s1+$0xD040] =	vst v1  }
0x3e: {  	[tilespmem:s1+$0xD050] =	vst v1  }
0x3f: {  	[tilespmem:s1+$0xD060] =	vst v1;
	s1 =	sshra.s32 s4, $0x2;
	s4 =	sadd.s32 $0x200, s4  }
0x40: {  	[tilespmem:s1+$0xD070] =	vst v1  }
0x41: {  	[tilespmem:s1+$0xD000] =	vst v1  }
0x42: {  	[tilespmem:s1+$0xD010] =	vst v1  }
0x43: {  	[tilespmem:s1+$0xD020] =	vst v1  }
0x44: {  	[tilespmem:s1+$0xD030] =	vst v1  }
0x45: {  	[tilespmem:s1+$0xD040] =	vst v1  }
0x46: {  	[tilespmem:s1+$0xD050] =	vst v1  }
0x47: {  	[tilespmem:s1+$0xD060] =	vst v1  }
0x48: {  	[spmem:s7] =	stream.linear.scatter [tilespmem:s20], [sflag:$0x3], $0x8000, $0x38;
	[tilespmem:$0x1F000] =	vst v63  }
0x49: {  	_ =	swait.ge [sflag:s18], $0x8000  }
0x4a: {  	[sflag:s18] =	ssyncset.done $0x0  }
0x4b: {  	[sflag:s18] =	ssyncadd.s32 $0xFFFF8000  }
0x4c: {  	[spmem:s8] =	stream.linear.scatter [tilespmem:s20], [sflag:$0x3], $0x2000, $0x38;
	[tilespmem:$0x1F000] =	vst v63  }
0x4d: {  	_ =	swait.ge [sflag:s18], $0x2000  }
0x4e: {  	[sflag:s18] =	ssyncset.done $0x0  }
0x4f: {  	[sflag:s18] =	ssyncadd.s32 $0xFFFFE000  }
0x50: {  	s4 =	simm.s32 $0x0;
	[bflag:$0x0] =	sbarrier.arrive $0xFFFF  }
0x51: {  	[tilespmem:s25], [sflag:$0x1] =	stream.indirect.gather [hbm4b:s2+s21], $0x80, s4, s21, $0xb8;
	[tilespmem:$0x1F000] =	vst v63  }
0x52: {  	s5 =	simm.s32 $0x100  }
0x53: {  	[tilespmem:s20], [sflag:$0x2] =	stream.indirect.gather [hbm4b:s2+s21], $0x80, s5, s21, $0xb8;
	[tilespmem:$0x1F000] =	vst v63  }
0x54: {  	_ =	swait.ge [sflag:s26], $0x8000  }
0x55: {  	[sflag:s26] =	ssyncset.done $0x0  }
0x56: {  	s6 =	simm.s32 $0x2800;
	[sflag:s26] =	ssyncadd.s32 $0xFFFF8000  }
0x57: {  	[spmem:s3] =	stream.indirect.scatter.add.f32 [tilespmem:s25], [sflag:$0x3], $0x80, s6, s21, $0xb8;
	[tilespmem:$0x1F000] =	vst v63  }
0x58: {  	_ =	swait.ge [sflag:s18], $0x8000  }
0x59: {  	[sflag:s18] =	ssyncset.done $0x0  }
0x5a: {  	s11 =	simm.s32 $0x200;
	[sflag:s18] =	ssyncadd.s32 $0xFFFF8000  }
0x5b: {  	[tilespmem:s25], [sflag:$0x1] =	stream.indirect.gather [hbm4b:s2+s21], $0x80, s11, s21, $0xb8;
	[tilespmem:$0x1F000] =	vst v63  }
0x5c: {  	_ =	swait.ge [sflag:s28], $0x8000  }
0x5d: {  	[sflag:s28] =	ssyncset.done $0x0  }
0x5e: {  	s12 =	simm.s32 $0x2900;
	[sflag:s28] =	ssyncadd.s32 $0xFFFF8000  }
0x5f: {  	[spmem:s3] =	stream.indirect.scatter.add.f32 [tilespmem:s20], [sflag:$0x3], $0x80, s12, s21, $0xb8;
	[tilespmem:$0x1F000] =	vst v63  }
0x60: {  	_ =	swait.ge [sflag:s18], $0x8000  }
0x61: {  	s1 =	simm.s32 $0x1000;
	s4 =	simm.s32 $0x200;
	[sflag:s18] =	ssyncset.done $0x0  }
.LBB2_6:
0x62: {  	s5 =	sadd.s32 $0x100, s4  }
0x63: {  	[sflag:s18] =	ssyncadd.s32 $0xFFFF8000;
	s6 =	smov.u32 s1;
	s11 =	sadd.s32 $0x800, s1  }
0x64: {  	[tilespmem:s20], [sflag:$0x2] =	stream.indirect.gather [hbm4b:s2+s21], $0x80, s5, s21, $0xb8;
	[tilespmem:$0x1F000] =	vst v63  }
0x65: {  	p1 =	sne.s32 s1, $0x9000;
	_ =	swait.ge [sflag:s26], $0x8000  }
0x66: {  	[sflag:s26] =	ssyncset.done $0x0  }
0x67: {  	s1 =	sadd.s32 $0x2800, s4;
	[sflag:s26] =	ssyncadd.s32 $0xFFFF8000  }
0x68: {  	[spmem:s3] =	stream.indirect.scatter.add.f32 [tilespmem:s25], [sflag:$0x3], $0x80, s1, s21, $0xb8;
	[tilespmem:$0x1F000] =	vst v63  }
0x69: {  	_ =	swait.ge [sflag:s18], $0x8000  }
0x6a: {  	[sflag:s18] =	ssyncset.done $0x0  }
0x6b: {  	s1 =	sadd.s32 $0x200, s4;
	[sflag:s18] =	ssyncadd.s32 $0xFFFF8000  }
0x6c: {  	[tilespmem:s25], [sflag:$0x1] =	stream.indirect.gather [hbm4b:s2+s21], $0x80, s1, s21, $0xb8;
	[tilespmem:$0x1F000] =	vst v63  }
0x6d: {  	_ =	swait.ge [sflag:s28], $0x8000  }
.Ltmp2:
0x6e: {  	[sflag:s28] =	ssyncset.done $0x0;
	(pc) =	sbr.rel @p1 .LBB2_6-.Ltmp2, $4  }
0x6f: {  	s1 =	sadd.s32 $0x2900, s4;
	[sflag:s28] =	ssyncadd.s32 $0xFFFF8000  }
0x70: {  	[spmem:s3] =	stream.indirect.scatter.add.f32 [tilespmem:s20], [sflag:$0x3], $0x80, s1, s21, $0xb8;
	[tilespmem:$0x1F000] =	vst v63  }
0x71: {  	_ =	swait.ge [sflag:s18], $0x8000  }
0x72: {  	s4 =	sshra.s32 s6, $0x2;
	s1 =	smov.u32 s11;
	[sflag:s18] =	ssyncset.done $0x0  }
0x73: {  	s1 =	sadd.s32 $0x100, s4;
	[sflag:s18] =	ssyncadd.s32 $0xFFFF8000  }
0x74: {  	[tilespmem:s20], [sflag:$0x2] =	stream.indirect.gather [hbm4b:s2+s21], $0x80, s1, s21, $0xb8;
	[tilespmem:$0x1F000] =	vst v63  }
0x75: {  	_ =	swait.ge [sflag:s26], $0x8000  }
0x76: {  	[sflag:s26] =	ssyncset.done $0x0  }
0x77: {  	s5 =	sadd.s32 $0x2800, s4;
	[sflag:s26] =	ssyncadd.s32 $0xFFFF8000  }
0x78: {  	[spmem:s3] =	stream.indirect.scatter.add.f32 [tilespmem:s25], [sflag:$0x3], $0x80, s5, s21, $0xb8;
	[tilespmem:$0x1F000] =	vst v63  }
0x79: {  	_ =	swait.ge [sflag:s18], $0x8000  }
0x7a: {  	[sflag:s18] =	ssyncset.done $0x0  }
0x7b: {  	s6 =	sadd.s32 $0x200, s4;
	[sflag:s18] =	ssyncadd.s32 $0xFFFF8000  }
0x7c: {  	[tilespmem:s25], [sflag:$0x1] =	stream.indirect.gather [hbm4b:s2+s21], $0x80, s6, s21, $0xb8;
	[tilespmem:$0x1F000] =	vst v63  }
0x7d: {  	_ =	swait.ge [sflag:s28], $0x8000  }
0x7e: {  	[sflag:s28] =	ssyncset.done $0x0  }
0x7f: {  	s11 =	sadd.s32 $0x2900, s4;
	[sflag:s28] =	ssyncadd.s32 $0xFFFF8000  }
0x80: {  	[spmem:s3] =	stream.indirect.scatter.add.f32 [tilespmem:s20], [sflag:$0x3], $0x80, s11, s21, $0xb8;
	[tilespmem:$0x1F000] =	vst v63  }
0x81: {  	_ =	swait.ge [sflag:s18], $0x8000  }
0x82: {  	[sflag:s18] =	ssyncset.done $0x0  }
0x83: {  	[sflag:s18] =	ssyncadd.s32 $0xFFFF8000  }
0x84: {  	[tilespmem:s20], [sflag:$0x2] =	stream.indirect.gather [hbm4b:s2+s21], $0x80, s29, s21, $0xb8;
	[tilespmem:$0x1F000] =	vst v63  }
0x85: {  	_ =	swait.ge [sflag:s26], $0x8000  }
0x86: {  	[sflag:s26] =	ssyncset.done $0x0  }
0x87: {  	[sflag:s26] =	ssyncadd.s32 $0xFFFF8000  }
0x88: {  	[spmem:s3] =	stream.indirect.scatter.add.f32 [tilespmem:s25], [sflag:$0x3], $0x80, s30, s21, $0xb8;
	[tilespmem:$0x1F000] =	vst v63  }
0x89: {  	_ =	swait.ge [sflag:s18], $0x8000  }
0x8a: {  	[sflag:s18] =	ssyncset.done $0x0  }
0x8b: {  	[sflag:s18] =	ssyncadd.s32 $0xFFFF8000  }
0x8c: {  	_ =	swait.ge [sflag:s28], $0x8000  }
0x8d: {  	[sflag:s28] =	ssyncset.done $0x0  }
0x8e: {  	[sflag:s28] =	ssyncadd.s32 $0xFFFF8000  }
0x8f: {  	[spmem:s3] =	stream.indirect.scatter.add.f32 [tilespmem:s20], [sflag:$0x3], $0x80, s31, s21, $0xb8;
	[tilespmem:$0x1F000] =	vst v63  }
0x90: {  	_ =	swait.ge [sflag:s18], $0x8000  }
0x91: {  	[sflag:s18] =	ssyncset.done $0x0  }
0x92: {  	[sflag:s18] =	ssyncadd.s32 $0xFFFF8000  }
0x93: {  	[bflag:$0x0] =	sbarrier.arrive $0xFFFF  }
0x94: {  	s1 =	simm.s32 @p0 $0x1FC3;
	s4 =	rddreg [dreg:$0x6]  }
0x95: {  	[hbm:s4], [sflag:s1] =	dma.local @p0 [spmem:s22], $0x1400  }
0x96: {  	s1 =	simm.s32 @p0 $0x3  }
0x97: {  	s4 =	stileid.u32;
	_ =	swait.ge @p0 [sflag:s1], $0x1400  }
0x98: {  	s4 =	sshll.u32 @!p0 s4, $0x6;
	[sflag:s1] =	ssyncset.done @p0 $0x0  }
0x99: {  	s4 =	sor.u32 @!p0 $0x1C03, s4;
	[sflag:s1] =	ssyncadd.s32 @p0 $0xFFFFEC00;
	s1 =	sshrl.u32 @!p0 s9, $0x3  }
0x9a: {  	[hbm:s10], [sflag:s4] =	dma.local @!p0 [spmem:s1], $0x1380  }
0x9b: {  	s1 =	simm.s32 @!p0 $0x3  }
0x9c: {  	_ =	swait.ge @!p0 [sflag:s1], $0x1380  }
0x9d: {  	[sflag:s1] =	ssyncset.done @!p0 $0x0  }
0x9e: {  	[sflag:s1] =	ssyncadd.s32 @!p0 $0xFFFFEC80  }
0x9f: {  	[bflag:$0x0] =	sbarrier.arrive $0xFFFF  }
0xa0: {  	s12 =	rddreg [dreg:$0x7]  }
0xa1: {  	[tilespmem:s19], [sflag:$0x3] =	stream.strided.gather [hbm4b:s12+s16], $0x2800, s17, s16, $0x38;
	[tilespmem:$0x1F000] =	vst v63  }
0xa2: {  	_ =	swait.ge [sflag:s18], $0x2800  }
0xa3: {  	[sflag:s18] =	ssyncset.done $0x0  }
0xa4: {  	s5 =	simm.s32 $0x200;
	s1 =	simm.s32 $0x0;
	[sflag:s18] =	ssyncadd.s32 $0xFFFFD800  }
.LBB2_8:
0xa5: {  	p1 =	sne.s32 s5, $0x1FE00;
	[tilespmem:s1+$0xD070] =	vst v1  }
0xa6: {  	[tilespmem:s1+$0xD000] =	vst v1  }
0xa7: {  	[tilespmem:s1+$0xD010] =	vst v1  }
.Ltmp3:
0xa8: {  	[tilespmem:s1+$0xD020] =	vst v1;
	(pc) =	sbr.rel @p1 .LBB2_8-.Ltmp3, $4  }
0xa9: {  	[tilespmem:s1+$0xD030] =	vst v1  }
0xaa: {  	[tilespmem:s1+$0xD040] =	vst v1  }
0xab: {  	[tilespmem:s1+$0xD050] =	vst v1  }
0xac: {  	[tilespmem:s1+$0xD060] =	vst v1;
	s1 =	sshra.s32 s5, $0x2;
	s5 =	sadd.s32 $0x200, s5  }
0xad: {  	[tilespmem:s1+$0xD070] =	vst v1  }
0xae: {  	[tilespmem:s1+$0xD000] =	vst v1  }
0xaf: {  	[tilespmem:s1+$0xD010] =	vst v1  }
0xb0: {  	[tilespmem:s1+$0xD020] =	vst v1  }
0xb1: {  	[tilespmem:s1+$0xD030] =	vst v1  }
0xb2: {  	[tilespmem:s1+$0xD040] =	vst v1  }
0xb3: {  	[tilespmem:s1+$0xD050] =	vst v1  }
0xb4: {  	[tilespmem:s1+$0xD060] =	vst v1  }
0xb5: {  	[spmem:s7] =	stream.linear.scatter [tilespmem:s20], [sflag:$0x3], $0x8000, $0x38;
	[tilespmem:$0x1F000] =	vst v63  }
0xb6: {  	_ =	swait.ge [sflag:s18], $0x8000  }
0xb7: {  	[sflag:s18] =	ssyncset.done $0x0  }
0xb8: {  	[sflag:s18] =	ssyncadd.s32 $0xFFFF8000  }
0xb9: {  	[spmem:s8] =	stream.linear.scatter [tilespmem:s20], [sflag:$0x3], $0x2000, $0x38;
	[tilespmem:$0x1F000] =	vst v63  }
0xba: {  	_ =	swait.ge [sflag:s18], $0x2000  }
0xbb: {  	[sflag:s18] =	ssyncset.done $0x0  }
0xbc: {  	[sflag:s18] =	ssyncadd.s32 $0xFFFFE000  }
0xbd: {  	s12 =	simm.s32 $0x0;
	[bflag:$0x0] =	sbarrier.arrive $0xFFFF  }
0xbe: {  	[tilespmem:s25], [sflag:$0x1] =	stream.indirect.gather [hbm4b:s2+s21], $0x80, s12, s21, $0xb8;
	[tilespmem:$0x1F000] =	vst v63  }
0xbf: {  	s5 =	simm.s32 $0x100  }
0xc0: {  	[tilespmem:s20], [sflag:$0x2] =	stream.indirect.gather [hbm4b:s2+s21], $0x80, s5, s21, $0xb8;
	[tilespmem:$0x1F000] =	vst v63  }
0xc1: {  	_ =	swait.ge [sflag:s26], $0x8000  }
0xc2: {  	[sflag:s26] =	ssyncset.done $0x0  }
0xc3: {  	s6 =	simm.s32 $0x2800;
	[sflag:s26] =	ssyncadd.s32 $0xFFFF8000  }
0xc4: {  	[spmem:s3] =	stream.indirect.scatter.add.f32 [tilespmem:s25], [sflag:$0x3], $0x80, s6, s21, $0xb8;
	[tilespmem:$0x1F000] =	vst v63  }
0xc5: {  	_ =	swait.ge [sflag:s18], $0x8000  }
0xc6: {  	[sflag:s18] =	ssyncset.done $0x0  }
0xc7: {  	s11 =	simm.s32 $0x200;
	[sflag:s18] =	ssyncadd.s32 $0xFFFF8000  }
0xc8: {  	[tilespmem:s25], [sflag:$0x1] =	stream.indirect.gather [hbm4b:s2+s21], $0x80, s11, s21, $0xb8;
	[tilespmem:$0x1F000] =	vst v63  }
0xc9: {  	_ =	swait.ge [sflag:s28], $0x8000  }
0xca: {  	[sflag:s28] =	ssyncset.done $0x0  }
0xcb: {  	s12 =	simm.s32 $0x2900;
	[sflag:s28] =	ssyncadd.s32 $0xFFFF8000  }
0xcc: {  	[spmem:s3] =	stream.indirect.scatter.add.f32 [tilespmem:s20], [sflag:$0x3], $0x80, s12, s21, $0xb8;
	[tilespmem:$0x1F000] =	vst v63  }
0xcd: {  	_ =	swait.ge [sflag:s18], $0x8000  }
0xce: {  	s1 =	simm.s32 $0x200;
	s5 =	simm.s32 $0x1000;
	[sflag:s18] =	ssyncset.done $0x0  }
.LBB2_10:
0xcf: {  	s6 =	sadd.s32 $0x100, s1  }
0xd0: {  	[sflag:s18] =	ssyncadd.s32 $0xFFFF8000;
	s11 =	smov.u32 s5;
	s12 =	sadd.s32 $0x800, s5  }
0xd1: {  	[tilespmem:s20], [sflag:$0x2] =	stream.indirect.gather [hbm4b:s2+s21], $0x80, s6, s21, $0xb8;
	[tilespmem:$0x1F000] =	vst v63  }
0xd2: {  	p1 =	sne.s32 s5, $0x9000;
	_ =	swait.ge [sflag:s26], $0x8000  }
0xd3: {  	[sflag:s26] =	ssyncset.done $0x0  }
0xd4: {  	s5 =	sadd.s32 $0x2800, s1;
	[sflag:s26] =	ssyncadd.s32 $0xFFFF8000  }
0xd5: {  	[spmem:s3] =	stream.indirect.scatter.add.f32 [tilespmem:s25], [sflag:$0x3], $0x80, s5, s21, $0xb8;
	[tilespmem:$0x1F000] =	vst v63  }
0xd6: {  	_ =	swait.ge [sflag:s18], $0x8000  }
0xd7: {  	[sflag:s18] =	ssyncset.done $0x0  }
0xd8: {  	s5 =	sadd.s32 $0x200, s1;
	[sflag:s18] =	ssyncadd.s32 $0xFFFF8000  }
0xd9: {  	[tilespmem:s25], [sflag:$0x1] =	stream.indirect.gather [hbm4b:s2+s21], $0x80, s5, s21, $0xb8;
	[tilespmem:$0x1F000] =	vst v63  }
0xda: {  	_ =	swait.ge [sflag:s28], $0x8000  }
.Ltmp4:
0xdb: {  	[sflag:s28] =	ssyncset.done $0x0;
	(pc) =	sbr.rel @p1 .LBB2_10-.Ltmp4, $4  }
0xdc: {  	s1 =	sadd.s32 $0x2900, s1;
	[sflag:s28] =	ssyncadd.s32 $0xFFFF8000  }
0xdd: {  	[spmem:s3] =	stream.indirect.scatter.add.f32 [tilespmem:s20], [sflag:$0x3], $0x80, s1, s21, $0xb8;
	[tilespmem:$0x1F000] =	vst v63  }
0xde: {  	_ =	swait.ge [sflag:s18], $0x8000  }
0xdf: {  	s5 =	smov.u32 s12;
	s1 =	sshra.s32 s11, $0x2;
	[sflag:s18] =	ssyncset.done $0x0  }
0xe0: {  	s5 =	sadd.s32 $0x100, s1;
	[sflag:s18] =	ssyncadd.s32 $0xFFFF8000  }
0xe1: {  	[tilespmem:s20], [sflag:$0x2] =	stream.indirect.gather [hbm4b:s2+s21], $0x80, s5, s21, $0xb8;
	[tilespmem:$0x1F000] =	vst v63  }
0xe2: {  	_ =	swait.ge [sflag:s26], $0x8000  }
0xe3: {  	[sflag:s26] =	ssyncset.done $0x0  }
0xe4: {  	s6 =	sadd.s32 $0x2800, s1;
	[sflag:s26] =	ssyncadd.s32 $0xFFFF8000  }
0xe5: {  	[spmem:s3] =	stream.indirect.scatter.add.f32 [tilespmem:s25], [sflag:$0x3], $0x80, s6, s21, $0xb8;
	[tilespmem:$0x1F000] =	vst v63  }
0xe6: {  	_ =	swait.ge [sflag:s18], $0x8000  }
0xe7: {  	[sflag:s18] =	ssyncset.done $0x0  }
0xe8: {  	s11 =	sadd.s32 $0x200, s1;
	[sflag:s18] =	ssyncadd.s32 $0xFFFF8000  }
0xe9: {  	[tilespmem:s25], [sflag:$0x1] =	stream.indirect.gather [hbm4b:s2+s21], $0x80, s11, s21, $0xb8;
	[tilespmem:$0x1F000] =	vst v63  }
0xea: {  	_ =	swait.ge [sflag:s28], $0x8000  }
0xeb: {  	[sflag:s28] =	ssyncset.done $0x0  }
0xec: {  	s12 =	sadd.s32 $0x2900, s1;
	[sflag:s28] =	ssyncadd.s32 $0xFFFF8000  }
0xed: {  	[spmem:s3] =	stream.indirect.scatter.add.f32 [tilespmem:s20], [sflag:$0x3], $0x80, s12, s21, $0xb8;
	[tilespmem:$0x1F000] =	vst v63  }
0xee: {  	_ =	swait.ge [sflag:s18], $0x8000  }
0xef: {  	[sflag:s18] =	ssyncset.done $0x0  }
0xf0: {  	[sflag:s18] =	ssyncadd.s32 $0xFFFF8000  }
0xf1: {  	[tilespmem:s20], [sflag:$0x2] =	stream.indirect.gather [hbm4b:s2+s21], $0x80, s29, s21, $0xb8;
	[tilespmem:$0x1F000] =	vst v63  }
0xf2: {  	_ =	swait.ge [sflag:s26], $0x8000  }
0xf3: {  	[sflag:s26] =	ssyncset.done $0x0  }
0xf4: {  	[sflag:s26] =	ssyncadd.s32 $0xFFFF8000  }
0xf5: {  	[spmem:s3] =	stream.indirect.scatter.add.f32 [tilespmem:s25], [sflag:$0x3], $0x80, s30, s21, $0xb8;
	[tilespmem:$0x1F000] =	vst v63  }
0xf6: {  	_ =	swait.ge [sflag:s18], $0x8000  }
0xf7: {  	[sflag:s18] =	ssyncset.done $0x0  }
0xf8: {  	[sflag:s18] =	ssyncadd.s32 $0xFFFF8000  }
0xf9: {  	_ =	swait.ge [sflag:s28], $0x8000  }
0xfa: {  	[sflag:s28] =	ssyncset.done $0x0  }
0xfb: {  	[sflag:s28] =	ssyncadd.s32 $0xFFFF8000  }
0xfc: {  	[spmem:s3] =	stream.indirect.scatter.add.f32 [tilespmem:s20], [sflag:$0x3], $0x80, s31, s21, $0xb8;
	[tilespmem:$0x1F000] =	vst v63  }
0xfd: {  	_ =	swait.ge [sflag:s18], $0x8000  }
0xfe: {  	[sflag:s18] =	ssyncset.done $0x0  }
0xff: {  	[sflag:s18] =	ssyncadd.s32 $0xFFFF8000  }
0x100: {  	s1 =	simm.s32 @p0 $0x1FC3;
	[bflag:$0x0] =	sbarrier.arrive $0xFFFF  }
0x101: {  	[hbm:s14], [sflag:s1] =	dma.local @p0 [spmem:s23], $0x1400  }
0x102: {  	s1 =	simm.s32 @p0 $0x3  }
0x103: {  	_ =	swait.ge @p0 [sflag:s1], $0x1400  }
0x104: {  	s0 =	sadd.s32 $0x1, s0;
	[sflag:s1] =	ssyncset.done @p0 $0x0  }
0x105: {  	p1 =	sne.s32 s0, s15;
	[sflag:s1] =	ssyncadd.s32 @p0 $0xFFFFEC00;
	s1 =	simm.s32 @!p0 $0x3  }
0x106: {  	[hbm:s13], [sflag:s4] =	dma.local @!p0 [spmem:s24], $0x1380  }
.Ltmp5:
0x107: {  	_ =	swait.ge @!p0 [sflag:s1], $0x1380;
	(pc) =	sbr.rel @p1 .LBB2_1-.Ltmp5, $3  }
0x108: {  	[sflag:s1] =	ssyncset.done @!p0 $0x0  }
0x109: {  	[sflag:s1] =	ssyncadd.s32 @!p0 $0xFFFFEC80  }
0x10a: {  	[bflag:$0x0] =	sbarrier.arrive $0xFFFF;
	_ =	sdelay $0x1  }
0x10b: {  	_ =	sfence.sel $0x180000  }
0x10c: {  	[bflag:$0x0] =	sbarrier.arrive $0xFFFF  }
0x10d: {  	_ =	strace $0x90000047  }
0x10e: {  	s0 =	stileid.u32;
	[bflag:$0x2] =	sbarrier.arrive $0xFFFF  }
0x10f: {  	p0 =	sne.s32 s0, $0x0;
	s0 =	rddreg [dreg:$0x3]  }
0x110: {  	s0 =	sadd.s32 @!p0 $0x100000, s0  }
0x111: {  	[sflag:s0] =	ssyncadd.tile.s32 @!p0 $0x1;
	_ =	shalt  }
.Lfunc_end2:
_tile_overlayer_lowered:
.L_overlay_start_2:
0x112: {  	(tag) =	ssettag $0x2  }
0x113: {  	s0 =	rddreg [dreg:$0x0];
	s2 =	stileid.u32  }
0x114: {  	s1 =	rddreg [dreg:$0x1];
	p0 =	sne.s32 s2, $0x0  }
0x115: {  	s3 =	rddreg [dreg:$0x2];
	[bflag:$0x3] =	sbarrier.arrive $0xFFFF;
	s2 =	simm.s32 @!p0 $0x1C03  }
0x116: {  	[timem:s3], [sflag:s2] =	dma.local @!p0 [hbm:s0], s1  }
0x117: {  	s0 =	simm.s32 @!p0 $0x3  }
0x118: {  	_ =	swait.ge @!p0 [sflag:s0], s1  }
0x119: {  	s1 =	ssub.s32 @!p0 $0x0, s1;
	[sflag:s0] =	ssyncset.done @!p0 $0x0  }
0x11a: {  	[sflag:s0] =	ssyncadd.s32 @!p0 s1  }
0x11b: {  	[bflag:$0x3] =	sbarrier.arrive $0xFFFF  }
0x11c: {  	_ =	shalt  }

</sc_bundles>
